<compile_context>
chip_gen: v7x
topology: tpu7x:2x2x1
jax: 0.10.2.dev20260603
libtpu: 0.0.44.dev20260713+nightly
codegen_flags: <defaults>
</compile_context>

<pallas_src>
import jax
import jax.numpy as jnp
from jax import lax
from jax.experimental import pallas as pl
from jax.experimental.pallas import tpu as pltpu
from jax.experimental.pallas import tpu_sc as plsc

_D = 64
_S = 200
_B = 4096
_NW = 32
_CHUNK = _B // _NW
_LANES = 16
_NBUF = 4
_CHP = _CHUNK + 1


def _positional_table():
    position = jnp.arange(0, _S, dtype=jnp.float32).reshape((_S, 1))
    even_i = jnp.arange(0, _D, 2, dtype=jnp.float32)
    odd_i = jnp.arange(1, _D, 2, dtype=jnp.float32)
    pow_even = jnp.power(10000.0, 2.0 * even_i / _D)
    pow_odd = jnp.power(10000.0, 2.0 * odd_i / _D)
    pe_even = jnp.sin(position / pow_even)
    pe_odd = jnp.cos(position / pow_odd)
    pe = jnp.stack([pe_even, pe_odd], axis=2).reshape(_S, _D)
    return pe


def _body(idx_hbm, pe_hbm, tab_hbm, out_hbm,
          pe_v, iraw, rows, si, sg, sw):
    wid = lax.axis_index("s") * 2 + lax.axis_index("c")
    bcol = wid * _CHUNK
    pltpu.sync_copy(pe_hbm, pe_v)

    def fire_idx(u, b):
        pltpu.async_copy(idx_hbm.at[u, pl.ds(bcol, _CHUNK)], iraw.at[b], si[b])

    def drain_idx(b):
        pltpu.make_async_copy(idx_hbm.at[0, pl.ds(0, _CHUNK)], iraw.at[b], si[b]).wait()

    def fire_gather(b):
        pltpu.async_copy(tab_hbm.at[iraw.at[b]], rows.at[b], sg[b])

    def drain_gather(b):
        pltpu.make_async_copy(tab_hbm.at[pl.ds(0, _CHUNK)], rows.at[b], sg[b]).wait()

    def drain_writeout(b):
        pltpu.make_async_copy(rows.at[b], out_hbm.at[pl.ds(0, _CHUNK), 0, :],
                              sw[b]).wait()

    def compute(u, b):
        pes = [pe_v[u, pl.ds(c * _LANES, _LANES)] for c in range(_D // _LANES)]

        @pl.loop(0, _CHUNK)
        def _i(i):
            for c in range(_D // _LANES):
                sl = pl.ds(c * _LANES, _LANES)
                rows[b, i, sl] = rows[b, i, sl] + pes[c]

    fire_idx(0, 0)
    fire_idx(1, 1)
    drain_idx(0)
    fire_gather(0)

    @pl.loop(0, _S, step=_NBUF)
    def _block(t):
        for k in range(_NBUF):
            u = t + k
            b2 = (k + 2) % _NBUF
            b1 = (k + 1) % _NBUF

            @pl.when(u < _S - 2)
            def _stage_idx():
                fire_idx(u + 2, b2)

            @pl.when(u < _S - 1)
            def _stage_gather():
                @pl.when(u >= _NBUF - 1)
                def _drain_prev():
                    drain_writeout(b1)
                drain_idx(b1)
                fire_gather(b1)

            drain_gather(k)
            compute(u, k)
            pltpu.async_copy(rows.at[k], out_hbm.at[pl.ds(bcol, _CHUNK), u, :],
                             sw[k])

    for k in range(_NBUF):
        drain_writeout(k)


@jax.jit
def kernel(data, table):
    idx_t = data.T.astype(jnp.int32)
    pe = _positional_table()
    mesh = plsc.VectorSubcoreMesh(core_axis_name="c", subcore_axis_name="s")
    out_k = pl.kernel(
        _body,
        out_type=jax.ShapeDtypeStruct((_B, _S, _D), jnp.float32),
        mesh=mesh,
        scratch_types=[
            pltpu.VMEM((_S, _D), jnp.float32),
            pltpu.VMEM((_NBUF, _CHUNK), jnp.int32),
            pltpu.VMEM((_NBUF, _CHUNK, _D), jnp.float32),
            [pltpu.SemaphoreType.DMA] * _NBUF,
            [pltpu.SemaphoreType.DMA] * _NBUF,
            [pltpu.SemaphoreType.DMA] * _NBUF,
        ],
        compiler_params=pltpu.CompilerParams(
            needs_layout_passes=False, use_tc_tiling_on_sc=False),
    )(idx_t, pe, table)
    return out_k

# --- scband reference (transcript-rebuilt; emitter-appended) ---
"""Pipeline reference for scband-embedding-model-89369679495589 (READ-ONLY COPY).

The authoritative reference and input builder live on the scoring server;
editing this copy changes nothing except your own understanding.
"""

import jax, jax.numpy as jnp
import numpy as np

VOCAB = 1000000
D_MODEL = 64
PAD_IDX = 0
MAX_SEQ_LEN = 200
BATCH = 4096
SEQ_LEN = 200


def setup_inputs(seed: int = 0) -> dict:
    key = jax.random.key(seed)
    k_data, k_table = jax.random.split(key)
    data = jax.random.randint(k_data, (BATCH, SEQ_LEN), 0, VOCAB, dtype=jnp.int64 if jax.config.jax_enable_x64 else jnp.int32)
    table = jax.random.normal(k_table, (VOCAB, D_MODEL), dtype=jnp.float32)
    # padding_idx row is initialized to zeros in nn.Embedding
    table = table.at[PAD_IDX].set(0.0)
    return {"data": data, "table": table}


def _positional_encoding():
    position = jnp.arange(0, MAX_SEQ_LEN, dtype=jnp.float32).reshape((MAX_SEQ_LEN, 1))
    even_i = jnp.arange(0, D_MODEL, 2, dtype=jnp.float32)
    odd_i = jnp.arange(1, D_MODEL, 2, dtype=jnp.float32)
    pow_even = jnp.power(10000.0, 2.0 * even_i / D_MODEL)
    pow_odd = jnp.power(10000.0, 2.0 * odd_i / D_MODEL)
    PE_even = jnp.sin(position / pow_even)
    PE_odd = jnp.cos(position / pow_odd)
    PE_full = jnp.stack([PE_even, PE_odd], axis=2)  # [L, D/2, 2]
    PE_full = PE_full.reshape(MAX_SEQ_LEN, D_MODEL)  # interleave flatten
    PE_full = PE_full[None, :, :]  # [1, L, D]
    return PE_full


def reference(data, table):
    embed = jnp.take(table, data, axis=0)  # [B, S, D] embedding gather
    PE = _positional_encoding()
    out = embed + PE[:, :embed.shape[1], :]
    return out

if __name__ == "__main__":
    import jax
    _d = setup_inputs()
    print(jax.jit(kernel)(*tuple(_d.values())))

</pallas_src>

<mosaic_0001>
#map = affine_map<(d0, d1) -> (0, 0)>
#map1 = affine_map<(d0, d1) -> (0, 0, 0)>
module attributes {stable_mosaic.version = 14 : i64} {
  func.func @_body(%arg0: i32, %arg1: i32, %arg2: memref<200x4096xi32, #tpu.memory_space<hbm>>, %arg3: memref<200x64xf32, #tpu.memory_space<hbm>>, %arg4: memref<1000000x64xf32, #tpu.memory_space<hbm>>, %arg5: memref<4096x200x64xf32, #tpu.memory_space<hbm>>, %arg6: memref<200x64xf32, #tpu.memory_space<vmem>>, %arg7: memref<4x128xi32, #tpu.memory_space<vmem>>, %arg8: memref<4x128x64xf32, #tpu.memory_space<vmem>>, %arg9: memref<!tpu.dma_semaphore, #tpu.memory_space<semaphore_mem>>, %arg10: memref<!tpu.dma_semaphore, #tpu.memory_space<semaphore_mem>>, %arg11: memref<!tpu.dma_semaphore, #tpu.memory_space<semaphore_mem>>, %arg12: memref<!tpu.dma_semaphore, #tpu.memory_space<semaphore_mem>>, %arg13: memref<!tpu.dma_semaphore, #tpu.memory_space<semaphore_mem>>, %arg14: memref<!tpu.dma_semaphore, #tpu.memory_space<semaphore_mem>>, %arg15: memref<!tpu.dma_semaphore, #tpu.memory_space<semaphore_mem>>, %arg16: memref<!tpu.dma_semaphore, #tpu.memory_space<semaphore_mem>>, %arg17: memref<!tpu.dma_semaphore, #tpu.memory_space<semaphore_mem>>, %arg18: memref<!tpu.dma_semaphore, #tpu.memory_space<semaphore_mem>>, %arg19: memref<!tpu.dma_semaphore, #tpu.memory_space<semaphore_mem>>, %arg20: memref<!tpu.dma_semaphore, #tpu.memory_space<semaphore_mem>>) attributes {dimension_semantics = [#tpu.dimension_semantics<core_parallel>, #tpu.dimension_semantics<subcore_parallel>], iteration_bounds = array<i64: 2, 16>, scalar_prefetch = 0 : i64, scratch_operands = 15 : i64, tpu.core_type = #tpu.core_type<sc_vector_subcore>, window_params = [{transform_indices = #map}, {transform_indices = #map}, {transform_indices = #map}, {transform_indices = #map1}]} {
    %mul3A = arith.constant 2 : i32
    %mul3A_0 = arith.muli %arg1, %mul3A : i32
    %add3A = arith.addi %mul3A_0, %arg0 : i32
    %mul3A_1 = arith.constant 128 : i32
    %mul3A_2 = arith.muli %add3A, %mul3A_1 : i32
    "tpu.region"() ({
      %run_scoped3A = tpu.sem_alloc : memref<!tpu.dma_semaphore, #tpu.memory_space<semaphore_mem>>
      tpu.enqueue_dma source(%arg3 : memref<200x64xf32, #tpu.memory_space<hbm>>) target(%arg6 : memref<200x64xf32, #tpu.memory_space<vmem>>) target_semaphore(%run_scoped3A : memref<!tpu.dma_semaphore, #tpu.memory_space<semaphore_mem>>)
      tpu.wait_dma2 semaphore(%run_scoped3A : memref<!tpu.dma_semaphore, #tpu.memory_space<semaphore_mem>>) src(%arg3 : memref<200x64xf32, #tpu.memory_space<hbm>>) dst(%arg6 : memref<200x64xf32, #tpu.memory_space<vmem>>)
      tpu.yield
    }) : () -> ()
    %dma_start3A = arith.constant 0 : i32
    %dma_start3A_3 = arith.constant 0 : i32
    %dma_start3A_4 = arith.constant 0 : i32
    %dma_start3A_5 = tpu.memref_slice %arg7[%dma_start3A_3, %dma_start3A_4] : memref<4x128xi32, #tpu.memory_space<vmem>> -> memref<1x128xi32, #tpu.memory_space<vmem>>
    %dma_start3A_6 = tpu.memref_squeeze %dma_start3A_5 : memref<1x128xi32, #tpu.memory_space<vmem>> -> memref<128xi32, #tpu.memory_space<vmem>>
    %dma_start3A_7 = tpu.memref_slice %arg2[%dma_start3A, %mul3A_2] : memref<200x4096xi32, #tpu.memory_space<hbm>> -> memref<1x128xi32, #tpu.memory_space<hbm>>
    %dma_start3A_8 = tpu.memref_squeeze %dma_start3A_7 : memref<1x128xi32, #tpu.memory_space<hbm>> -> memref<128xi32, #tpu.memory_space<hbm>>
    %dma_start3A_9 = arith.constant 0 : i32
    %dma_start3A_10 = tpu.memref_slice %arg7[%dma_start3A_3, %dma_start3A_9] : memref<4x128xi32, #tpu.memory_space<vmem>> -> memref<1x128xi32, #tpu.memory_space<vmem>>
    %dma_start3A_11 = tpu.memref_squeeze %dma_start3A_10 : memref<1x128xi32, #tpu.memory_space<vmem>> -> memref<128xi32, #tpu.memory_space<vmem>>
    %dma_start3A_12 = tpu.memref_slice %arg2[%dma_start3A, %mul3A_2] : memref<200x4096xi32, #tpu.memory_space<hbm>> -> memref<1x128xi32, #tpu.memory_space<hbm>>
    %dma_start3A_13 = tpu.memref_squeeze %dma_start3A_12 : memref<1x128xi32, #tpu.memory_space<hbm>> -> memref<128xi32, #tpu.memory_space<hbm>>
    tpu.enqueue_dma source(%dma_start3A_13 : memref<128xi32, #tpu.memory_space<hbm>>) target(%dma_start3A_11 : memref<128xi32, #tpu.memory_space<vmem>>) target_semaphore(%arg9 : memref<!tpu.dma_semaphore, #tpu.memory_space<semaphore_mem>>)
    %dma_start3A_14 = arith.constant 1 : i32
    %dma_start3A_15 = arith.constant 1 : i32
    %dma_start3A_16 = arith.constant 0 : i32
    %dma_start3A_17 = tpu.memref_slice %arg7[%dma_start3A_15, %dma_start3A_16] : memref<4x128xi32, #tpu.memory_space<vmem>> -> memref<1x128xi32, #tpu.memory_space<vmem>>
    %dma_start3A_18 = tpu.memref_squeeze %dma_start3A_17 : memref<1x128xi32, #tpu.memory_space<vmem>> -> memref<128xi32, #tpu.memory_space<vmem>>
    %dma_start3A_19 = tpu.memref_slice %arg2[%dma_start3A_14, %mul3A_2] : memref<200x4096xi32, #tpu.memory_space<hbm>> -> memref<1x128xi32, #tpu.memory_space<hbm>>
    %dma_start3A_20 = tpu.memref_squeeze %dma_start3A_19 : memref<1x128xi32, #tpu.memory_space<hbm>> -> memref<128xi32, #tpu.memory_space<hbm>>
    %dma_start3A_21 = arith.constant 0 : i32
    %dma_start3A_22 = tpu.memref_slice %arg7[%dma_start3A_15, %dma_start3A_21] : memref<4x128xi32, #tpu.memory_space<vmem>> -> memref<1x128xi32, #tpu.memory_space<vmem>>
    %dma_start3A_23 = tpu.memref_squeeze %dma_start3A_22 : memref<1x128xi32, #tpu.memory_space<vmem>> -> memref<128xi32, #tpu.memory_space<vmem>>
    %dma_start3A_24 = tpu.memref_slice %arg2[%dma_start3A_14, %mul3A_2] : memref<200x4096xi32, #tpu.memory_space<hbm>> -> memref<1x128xi32, #tpu.memory_space<hbm>>
    %dma_start3A_25 = tpu.memref_squeeze %dma_start3A_24 : memref<1x128xi32, #tpu.memory_space<hbm>> -> memref<128xi32, #tpu.memory_space<hbm>>
    tpu.enqueue_dma source(%dma_start3A_25 : memref<128xi32, #tpu.memory_space<hbm>>) target(%dma_start3A_23 : memref<128xi32, #tpu.memory_space<vmem>>) target_semaphore(%arg10 : memref<!tpu.dma_semaphore, #tpu.memory_space<semaphore_mem>>)
    %dma_wait3A = arith.constant 0 : i32
    %dma_wait3A_26 = arith.constant 0 : i32
    %dma_wait3A_27 = arith.constant 0 : i32
    %dma_wait3A_28 = tpu.memref_slice %arg7[%dma_wait3A_26, %dma_wait3A_27] : memref<4x128xi32, #tpu.memory_space<vmem>> -> memref<1x128xi32, #tpu.memory_space<vmem>>
    %dma_wait3A_29 = tpu.memref_squeeze %dma_wait3A_28 : memref<1x128xi32, #tpu.memory_space<vmem>> -> memref<128xi32, #tpu.memory_space<vmem>>
    %dma_wait3A_30 = arith.constant 0 : i32
    %dma_wait3A_31 = tpu.memref_slice %arg2[%dma_wait3A, %dma_wait3A_30] : memref<200x4096xi32, #tpu.memory_space<hbm>> -> memref<1x128xi32, #tpu.memory_space<hbm>>
    %dma_wait3A_32 = tpu.memref_squeeze %dma_wait3A_31 : memref<1x128xi32, #tpu.memory_space<hbm>> -> memref<128xi32, #tpu.memory_space<hbm>>
    %dma_wait3A_33 = arith.constant 0 : i32
    %dma_wait3A_34 = tpu.memref_slice %arg7[%dma_wait3A_26, %dma_wait3A_33] : memref<4x128xi32, #tpu.memory_space<vmem>> -> memref<1x128xi32, #tpu.memory_space<vmem>>
    %dma_wait3A_35 = tpu.memref_squeeze %dma_wait3A_34 : memref<1x128xi32, #tpu.memory_space<vmem>> -> memref<128xi32, #tpu.memory_space<vmem>>
    %dma_wait3A_36 = arith.constant 0 : i32
    %dma_wait3A_37 = tpu.memref_slice %arg2[%dma_wait3A, %dma_wait3A_36] : memref<200x4096xi32, #tpu.memory_space<hbm>> -> memref<1x128xi32, #tpu.memory_space<hbm>>
    %dma_wait3A_38 = tpu.memref_squeeze %dma_wait3A_37 : memref<1x128xi32, #tpu.memory_space<hbm>> -> memref<128xi32, #tpu.memory_space<hbm>>
    tpu.wait_dma2 semaphore(%arg9 : memref<!tpu.dma_semaphore, #tpu.memory_space<semaphore_mem>>) src(%dma_wait3A_38 : memref<128xi32, #tpu.memory_space<hbm>>) dst(%dma_wait3A_35 : memref<128xi32, #tpu.memory_space<vmem>>)
    %dma_start3A_39 = arith.constant 0 : i32
    %dma_start3A_40 = arith.constant 0 : i32
    %dma_start3A_41 = arith.constant 0 : i32
    %dma_start3A_42 = arith.constant 0 : i32
    %dma_start3A_43 = tpu.memref_slice %arg8[%dma_start3A_40, %dma_start3A_41, %dma_start3A_42] : memref<4x128x64xf32, #tpu.memory_space<vmem>> -> memref<1x128x64xf32, #tpu.memory_space<vmem>>
    %dma_start3A_44 = tpu.memref_squeeze %dma_start3A_43 : memref<1x128x64xf32, #tpu.memory_space<vmem>> -> memref<128x64xf32, #tpu.memory_space<vmem>>
    %dma_start3A_45 = arith.constant 0 : i32
    %dma_start3A_46 = tpu.memref_slice %arg7[%dma_start3A_39, %dma_start3A_45] : memref<4x128xi32, #tpu.memory_space<vmem>> -> memref<1x128xi32, #tpu.memory_space<vmem>>
    %dma_start3A_47 = tpu.memref_squeeze %dma_start3A_46 : memref<1x128xi32, #tpu.memory_space<vmem>> -> memref<128xi32, #tpu.memory_space<vmem>>
    %dma_start3A_48 = arith.constant 0 : i32
    %dma_start3A_49 = arith.constant 0 : i32
    %dma_start3A_50 = tpu.memref_slice %arg4[%dma_start3A_48, %dma_start3A_49] : memref<1000000x64xf32, #tpu.memory_space<hbm>> -> memref<1000000x64xf32, #tpu.memory_space<hbm>>
    tpu.enqueue_indirect_dma source(%dma_start3A_50 : memref<1000000x64xf32, #tpu.memory_space<hbm>>) target(%dma_start3A_44 : memref<128x64xf32, #tpu.memory_space<vmem>>) offsets(%dma_start3A_47 : memref<128xi32, #tpu.memory_space<vmem>>) semaphore(%arg13 : memref<!tpu.dma_semaphore, #tpu.memory_space<semaphore_mem>>)
    %scan3A = arith.constant 0 : i32
    %scan3A_51 = arith.constant 50 : i32
    %scan3A_52 = arith.addi %scan3A, %scan3A_51 : i32
    %scan3A_53 = arith.constant 1 : i32
    scf.for %scan3A_127 = %scan3A to %scan3A_52 step %scan3A_53  : i32 {
      %mul3A_128 = arith.constant 4 : i32
      %mul3A_129 = arith.muli %scan3A_127, %mul3A_128 : i32
      %add3A_130 = arith.constant 0 : i32
      %add3A_131 = arith.addi %add3A_130, %mul3A_129 : i32
      %add3A_132 = arith.constant 0 : i32
      %add3A_133 = arith.addi %add3A_131, %add3A_132 : i32
      %lt3A = arith.constant 198 : i32
      %lt3A_134 = arith.cmpi slt, %add3A_133, %lt3A : i32
      %convert_element_type3A = arith.extui %lt3A_134 : i1 to i32
      %cond3A = arith.constant 0 : i32
      %cond3A_135 = arith.cmpi ne, %convert_element_type3A, %cond3A : i32
      scf.if %cond3A_135 {
        %add3A_364 = arith.constant 2 : i32
        %add3A_365 = arith.addi %add3A_133, %add3A_364 : i32
        %dma_start3A_366 = arith.constant 2 : i32
        %dma_start3A_367 = arith.constant 0 : i32
        %dma_start3A_368 = tpu.memref_slice %arg7[%dma_start3A_366, %dma_start3A_367] : memref<4x128xi32, #tpu.memory_space<vmem>> -> memref<1x128xi32, #tpu.memory_space<vmem>>
        %dma_start3A_369 = tpu.memref_squeeze %dma_start3A_368 : memref<1x128xi32, #tpu.memory_space<vmem>> -> memref<128xi32, #tpu.memory_space<vmem>>
        %dma_start3A_370 = tpu.memref_slice %arg2[%add3A_365, %mul3A_2] : memref<200x4096xi32, #tpu.memory_space<hbm>> -> memref<1x128xi32, #tpu.memory_space<hbm>>
        %dma_start3A_371 = tpu.memref_squeeze %dma_start3A_370 : memref<1x128xi32, #tpu.memory_space<hbm>> -> memref<128xi32, #tpu.memory_space<hbm>>
        %dma_start3A_372 = arith.constant 0 : i32
        %dma_start3A_373 = tpu.memref_slice %arg7[%dma_start3A_366, %dma_start3A_372] : memref<4x128xi32, #tpu.memory_space<vmem>> -> memref<1x128xi32, #tpu.memory_space<vmem>>
        %dma_start3A_374 = tpu.memref_squeeze %dma_start3A_373 : memref<1x128xi32, #tpu.memory_space<vmem>> -> memref<128xi32, #tpu.memory_space<vmem>>
        %dma_start3A_375 = tpu.memref_slice %arg2[%add3A_365, %mul3A_2] : memref<200x4096xi32, #tpu.memory_space<hbm>> -> memref<1x128xi32, #tpu.memory_space<hbm>>
        %dma_start3A_376 = tpu.memref_squeeze %dma_start3A_375 : memref<1x128xi32, #tpu.memory_space<hbm>> -> memref<128xi32, #tpu.memory_space<hbm>>
        tpu.enqueue_dma source(%dma_start3A_376 : memref<128xi32, #tpu.memory_space<hbm>>) target(%dma_start3A_374 : memref<128xi32, #tpu.memory_space<vmem>>) target_semaphore(%arg11 : memref<!tpu.dma_semaphore, #tpu.memory_space<semaphore_mem>>)
      } else {
      }
      %lt3A_136 = arith.constant 199 : i32
      %lt3A_137 = arith.cmpi slt, %add3A_133, %lt3A_136 : i32
      %convert_element_type3A_138 = arith.extui %lt3A_137 : i1 to i32
      %cond3A_139 = arith.constant 0 : i32
      %cond3A_140 = arith.cmpi ne, %convert_element_type3A_138, %cond3A_139 : i32
      scf.if %cond3A_140 {
        %ge3A = arith.constant 3 : i32
        %ge3A_364 = arith.cmpi sge, %add3A_133, %ge3A : i32
        %convert_element_type3A_365 = arith.extui %ge3A_364 : i1 to i32
        %cond3A_366 = arith.constant 0 : i32
        %cond3A_367 = arith.cmpi ne, %convert_element_type3A_365, %cond3A_366 : i32
        scf.if %cond3A_367 {
          %dma_wait3A_394 = arith.constant 1 : i32
          %dma_wait3A_395 = arith.constant 0 : i32
          %dma_wait3A_396 = arith.constant 0 : i32
          %dma_wait3A_397 = arith.constant 0 : i32
          %dma_wait3A_398 = tpu.memref_slice %arg8[%dma_wait3A_394, %dma_wait3A_396, %dma_wait3A_397] : memref<4x128x64xf32, #tpu.memory_space<vmem>> -> memref<1x128x64xf32, #tpu.memory_space<vmem>>
          %dma_wait3A_399 = tpu.memref_squeeze %dma_wait3A_398 : memref<1x128x64xf32, #tpu.memory_space<vmem>> -> memref<128x64xf32, #tpu.memory_space<vmem>>
          %dma_wait3A_400 = arith.constant 0 : i32
          %dma_wait3A_401 = arith.constant 0 : i32
          %dma_wait3A_402 = tpu.memref_slice %arg5[%dma_wait3A_400, %dma_wait3A_395, %dma_wait3A_401] : memref<4096x200x64xf32, #tpu.memory_space<hbm>> -> memref<128x1x64xf32, #tpu.memory_space<hbm>>
          %dma_wait3A_403 = tpu.memref_squeeze %dma_wait3A_402 : memref<128x1x64xf32, #tpu.memory_space<hbm>> -> memref<128x64xf32, #tpu.memory_space<hbm>>
          %dma_wait3A_404 = arith.constant 0 : i32
          %dma_wait3A_405 = arith.constant 0 : i32
          %dma_wait3A_406 = tpu.memref_slice %arg5[%dma_wait3A_404, %dma_wait3A_395, %dma_wait3A_405] : memref<4096x200x64xf32, #tpu.memory_space<hbm>> -> memref<128x1x64xf32, #tpu.memory_space<hbm>>
          %dma_wait3A_407 = tpu.memref_squeeze %dma_wait3A_406 : memref<128x1x64xf32, #tpu.memory_space<hbm>> -> memref<128x64xf32, #tpu.memory_space<hbm>>
          %dma_wait3A_408 = arith.constant 0 : i32
          %dma_wait3A_409 = arith.constant 0 : i32
          %dma_wait3A_410 = tpu.memref_slice %arg8[%dma_wait3A_394, %dma_wait3A_408, %dma_wait3A_409] : memref<4x128x64xf32, #tpu.memory_space<vmem>> -> memref<1x128x64xf32, #tpu.memory_space<vmem>>
          %dma_wait3A_411 = tpu.memref_squeeze %dma_wait3A_410 : memref<1x128x64xf32, #tpu.memory_space<vmem>> -> memref<128x64xf32, #tpu.memory_space<vmem>>
          tpu.wait_dma2 semaphore(%arg18 : memref<!tpu.dma_semaphore, #tpu.memory_space<semaphore_mem>>) src(%dma_wait3A_411 : memref<128x64xf32, #tpu.memory_space<vmem>>) dst(%dma_wait3A_407 : memref<128x64xf32, #tpu.memory_space<hbm>>)
        } else {
        }
        %dma_wait3A_368 = arith.constant 0 : i32
        %dma_wait3A_369 = arith.constant 1 : i32
        %dma_wait3A_370 = arith.constant 0 : i32
        %dma_wait3A_371 = tpu.memref_slice %arg7[%dma_wait3A_369, %dma_wait3A_370] : memref<4x128xi32, #tpu.memory_space<vmem>> -> memref<1x128xi32, #tpu.memory_space<vmem>>
        %dma_wait3A_372 = tpu.memref_squeeze %dma_wait3A_371 : memref<1x128xi32, #tpu.memory_space<vmem>> -> memref<128xi32, #tpu.memory_space<vmem>>
        %dma_wait3A_373 = arith.constant 0 : i32
        %dma_wait3A_374 = tpu.memref_slice %arg2[%dma_wait3A_368, %dma_wait3A_373] : memref<200x4096xi32, #tpu.memory_space<hbm>> -> memref<1x128xi32, #tpu.memory_space<hbm>>
        %dma_wait3A_375 = tpu.memref_squeeze %dma_wait3A_374 : memref<1x128xi32, #tpu.memory_space<hbm>> -> memref<128xi32, #tpu.memory_space<hbm>>
        %dma_wait3A_376 = arith.constant 0 : i32
        %dma_wait3A_377 = tpu.memref_slice %arg7[%dma_wait3A_369, %dma_wait3A_376] : memref<4x128xi32, #tpu.memory_space<vmem>> -> memref<1x128xi32, #tpu.memory_space<vmem>>
        %dma_wait3A_378 = tpu.memref_squeeze %dma_wait3A_377 : memref<1x128xi32, #tpu.memory_space<vmem>> -> memref<128xi32, #tpu.memory_space<vmem>>
        %dma_wait3A_379 = arith.constant 0 : i32
        %dma_wait3A_380 = tpu.memref_slice %arg2[%dma_wait3A_368, %dma_wait3A_379] : memref<200x4096xi32, #tpu.memory_space<hbm>> -> memref<1x128xi32, #tpu.memory_space<hbm>>
        %dma_wait3A_381 = tpu.memref_squeeze %dma_wait3A_380 : memref<1x128xi32, #tpu.memory_space<hbm>> -> memref<128xi32, #tpu.memory_space<hbm>>
        tpu.wait_dma2 semaphore(%arg10 : memref<!tpu.dma_semaphore, #tpu.memory_space<semaphore_mem>>) src(%dma_wait3A_381 : memref<128xi32, #tpu.memory_space<hbm>>) dst(%dma_wait3A_378 : memref<128xi32, #tpu.memory_space<vmem>>)
        %dma_start3A_382 = arith.constant 1 : i32
        %dma_start3A_383 = arith.constant 1 : i32
        %dma_start3A_384 = arith.constant 0 : i32
        %dma_start3A_385 = arith.constant 0 : i32
        %dma_start3A_386 = tpu.memref_slice %arg8[%dma_start3A_383, %dma_start3A_384, %dma_start3A_385] : memref<4x128x64xf32, #tpu.memory_space<vmem>> -> memref<1x128x64xf32, #tpu.memory_space<vmem>>
        %dma_start3A_387 = tpu.memref_squeeze %dma_start3A_386 : memref<1x128x64xf32, #tpu.memory_space<vmem>> -> memref<128x64xf32, #tpu.memory_space<vmem>>
        %dma_start3A_388 = arith.constant 0 : i32
        %dma_start3A_389 = tpu.memref_slice %arg7[%dma_start3A_382, %dma_start3A_388] : memref<4x128xi32, #tpu.memory_space<vmem>> -> memref<1x128xi32, #tpu.memory_space<vmem>>
        %dma_start3A_390 = tpu.memref_squeeze %dma_start3A_389 : memref<1x128xi32, #tpu.memory_space<vmem>> -> memref<128xi32, #tpu.memory_space<vmem>>
        %dma_start3A_391 = arith.constant 0 : i32
        %dma_start3A_392 = arith.constant 0 : i32
        %dma_start3A_393 = tpu.memref_slice %arg4[%dma_start3A_391, %dma_start3A_392] : memref<1000000x64xf32, #tpu.memory_space<hbm>> -> memref<1000000x64xf32, #tpu.memory_space<hbm>>
        tpu.enqueue_indirect_dma source(%dma_start3A_393 : memref<1000000x64xf32, #tpu.memory_space<hbm>>) target(%dma_start3A_387 : memref<128x64xf32, #tpu.memory_space<vmem>>) offsets(%dma_start3A_390 : memref<128xi32, #tpu.memory_space<vmem>>) semaphore(%arg14 : memref<!tpu.dma_semaphore, #tpu.memory_space<semaphore_mem>>)
      } else {
      }
      %dma_wait3A_141 = arith.constant 0 : i32
      %dma_wait3A_142 = arith.constant 0 : i32
      %dma_wait3A_143 = arith.constant 0 : i32
      %dma_wait3A_144 = tpu.memref_slice %arg8[%dma_wait3A_141, %dma_wait3A_142, %dma_wait3A_143] : memref<4x128x64xf32, #tpu.memory_space<vmem>> -> memref<1x128x64xf32, #tpu.memory_space<vmem>>
      %dma_wait3A_145 = tpu.memref_squeeze %dma_wait3A_144 : memref<1x128x64xf32, #tpu.memory_space<vmem>> -> memref<128x64xf32, #tpu.memory_space<vmem>>
      %dma_wait3A_146 = arith.constant 0 : i32
      %dma_wait3A_147 = arith.constant 0 : i32
      %dma_wait3A_148 = tpu.memref_slice %arg4[%dma_wait3A_146, %dma_wait3A_147] : memref<1000000x64xf32, #tpu.memory_space<hbm>> -> memref<128x64xf32, #tpu.memory_space<hbm>>
      %dma_wait3A_149 = arith.constant 0 : i32
      %dma_wait3A_150 = arith.constant 0 : i32
      %dma_wait3A_151 = tpu.memref_slice %arg8[%dma_wait3A_141, %dma_wait3A_149, %dma_wait3A_150] : memref<4x128x64xf32, #tpu.memory_space<vmem>> -> memref<1x128x64xf32, #tpu.memory_space<vmem>>
      %dma_wait3A_152 = tpu.memref_squeeze %dma_wait3A_151 : memref<1x128x64xf32, #tpu.memory_space<vmem>> -> memref<128x64xf32, #tpu.memory_space<vmem>>
      %dma_wait3A_153 = arith.constant 0 : i32
      %dma_wait3A_154 = arith.constant 0 : i32
      %dma_wait3A_155 = tpu.memref_slice %arg4[%dma_wait3A_153, %dma_wait3A_154] : memref<1000000x64xf32, #tpu.memory_space<hbm>> -> memref<128x64xf32, #tpu.memory_space<hbm>>
      tpu.wait_dma2 semaphore(%arg13 : memref<!tpu.dma_semaphore, #tpu.memory_space<semaphore_mem>>) src(%dma_wait3A_155 : memref<128x64xf32, #tpu.memory_space<hbm>>) dst(%dma_wait3A_152 : memref<128x64xf32, #tpu.memory_space<vmem>>)
      %get3A = arith.index_cast %add3A_133 : i32 to index
      %get3A_156 = arith.constant 0 : index
      %get3A_157 = tpu.vector_load %arg6[%get3A, %get3A_156] {strides = array<i32>} : memref<200x64xf32, #tpu.memory_space<vmem>>, vector<16xf32>,
      %get3A_158 = arith.index_cast %add3A_133 : i32 to index
      %get3A_159 = arith.constant 16 : index
      %get3A_160 = tpu.vector_load %arg6[%get3A_158, %get3A_159] {strides = array<i32>} : memref<200x64xf32, #tpu.memory_space<vmem>>, vector<16xf32>,
      %get3A_161 = arith.index_cast %add3A_133 : i32 to index
      %get3A_162 = arith.constant 32 : index
      %get3A_163 = tpu.vector_load %arg6[%get3A_161, %get3A_162] {strides = array<i32>} : memref<200x64xf32, #tpu.memory_space<vmem>>, vector<16xf32>,
      %get3A_164 = arith.index_cast %add3A_133 : i32 to index
      %get3A_165 = arith.constant 48 : index
      %get3A_166 = tpu.vector_load %arg6[%get3A_164, %get3A_165] {strides = array<i32>} : memref<200x64xf32, #tpu.memory_space<vmem>>, vector<16xf32>,
      %scan3A_167 = arith.constant 0 : i32
      %scan3A_168 = arith.constant 128 : i32
      %scan3A_169 = arith.addi %scan3A_167, %scan3A_168 : i32
      %scan3A_170 = arith.constant 1 : i32
      scf.for %scan3A_364 = %scan3A_167 to %scan3A_169 step %scan3A_170  : i32 {
        %mul3A_365 = arith.constant 1 : i32
        %mul3A_366 = arith.muli %scan3A_364, %mul3A_365 : i32
        %add3A_367 = arith.constant 0 : i32
        %add3A_368 = arith.addi %add3A_367, %mul3A_366 : i32
        %get3A_369 = arith.constant 0 : i32
        %get3A_370 = arith.index_cast %get3A_369 : i32 to index
        %get3A_371 = arith.index_cast %add3A_368 : i32 to index
        %get3A_372 = arith.constant 0 : index
        %get3A_373 = tpu.vector_load %arg8[%get3A_370, %get3A_371, %get3A_372] {strides = array<i32>} : memref<4x128x64xf32, #tpu.memory_space<vmem>>, vector<16xf32>,
        %add3A_374 = arith.addf %get3A_373, %get3A_157 : vector<16xf32>
        %swap3A = arith.constant 0 : i32
        %swap3A_375 = arith.index_cast %swap3A : i32 to index
        %swap3A_376 = arith.index_cast %add3A_368 : i32 to index
        %swap3A_377 = arith.constant 0 : index
        %swap3A_378 = tpu.vector_load %arg8[%swap3A_375, %swap3A_376, %swap3A_377] {strides = array<i32>} : memref<4x128x64xf32, #tpu.memory_space<vmem>>, vector<16xf32>,
        tpu.vector_store %arg8[%swap3A_375, %swap3A_376, %swap3A_377], %add3A_374 {strides = array<i32>} : memref<4x128x64xf32, #tpu.memory_space<vmem>>, vector<16xf32>,
        %get3A_379 = arith.constant 0 : i32
        %get3A_380 = arith.index_cast %get3A_379 : i32 to index
        %get3A_381 = arith.index_cast %add3A_368 : i32 to index
        %get3A_382 = arith.constant 16 : index
        %get3A_383 = tpu.vector_load %arg8[%get3A_380, %get3A_381, %get3A_382] {strides = array<i32>} : memref<4x128x64xf32, #tpu.memory_space<vmem>>, vector<16xf32>,
        %add3A_384 = arith.addf %get3A_383, %get3A_160 : vector<16xf32>
        %swap3A_385 = arith.constant 0 : i32
        %swap3A_386 = arith.index_cast %swap3A_385 : i32 to index
        %swap3A_387 = arith.index_cast %add3A_368 : i32 to index
        %swap3A_388 = arith.constant 16 : index
        %swap3A_389 = tpu.vector_load %arg8[%swap3A_386, %swap3A_387, %swap3A_388] {strides = array<i32>} : memref<4x128x64xf32, #tpu.memory_space<vmem>>, vector<16xf32>,
        tpu.vector_store %arg8[%swap3A_386, %swap3A_387, %swap3A_388], %add3A_384 {strides = array<i32>} : memref<4x128x64xf32, #tpu.memory_space<vmem>>, vector<16xf32>,
        %get3A_390 = arith.constant 0 : i32
        %get3A_391 = arith.index_cast %get3A_390 : i32 to index
        %get3A_392 = arith.index_cast %add3A_368 : i32 to index
        %get3A_393 = arith.constant 32 : index
        %get3A_394 = tpu.vector_load %arg8[%get3A_391, %get3A_392, %get3A_393] {strides = array<i32>} : memref<4x128x64xf32, #tpu.memory_space<vmem>>, vector<16xf32>,
        %add3A_395 = arith.addf %get3A_394, %get3A_163 : vector<16xf32>
        %swap3A_396 = arith.constant 0 : i32
        %swap3A_397 = arith.index_cast %swap3A_396 : i32 to index
        %swap3A_398 = arith.index_cast %add3A_368 : i32 to index
        %swap3A_399 = arith.constant 32 : index
        %swap3A_400 = tpu.vector_load %arg8[%swap3A_397, %swap3A_398, %swap3A_399] {strides = array<i32>} : memref<4x128x64xf32, #tpu.memory_space<vmem>>, vector<16xf32>,
        tpu.vector_store %arg8[%swap3A_397, %swap3A_398, %swap3A_399], %add3A_395 {strides = array<i32>} : memref<4x128x64xf32, #tpu.memory_space<vmem>>, vector<16xf32>,
        %get3A_401 = arith.constant 0 : i32
        %get3A_402 = arith.index_cast %get3A_401 : i32 to index
        %get3A_403 = arith.index_cast %add3A_368 : i32 to index
        %get3A_404 = arith.constant 48 : index
        %get3A_405 = tpu.vector_load %arg8[%get3A_402, %get3A_403, %get3A_404] {strides = array<i32>} : memref<4x128x64xf32, #tpu.memory_space<vmem>>, vector<16xf32>,
        %add3A_406 = arith.addf %get3A_405, %get3A_166 : vector<16xf32>
        %swap3A_407 = arith.constant 0 : i32
        %swap3A_408 = arith.index_cast %swap3A_407 : i32 to index
        %swap3A_409 = arith.index_cast %add3A_368 : i32 to index
        %swap3A_410 = arith.constant 48 : index
        %swap3A_411 = tpu.vector_load %arg8[%swap3A_408, %swap3A_409, %swap3A_410] {strides = array<i32>} : memref<4x128x64xf32, #tpu.memory_space<vmem>>, vector<16xf32>,
        tpu.vector_store %arg8[%swap3A_408, %swap3A_409, %swap3A_410], %add3A_406 {strides = array<i32>} : memref<4x128x64xf32, #tpu.memory_space<vmem>>, vector<16xf32>,
      }
      %scan3A_171 = arith.constant 128 : i32
      %dma_start3A_172 = arith.constant 0 : i32
      %dma_start3A_173 = arith.constant 0 : i32
      %dma_start3A_174 = arith.constant 0 : i32
      %dma_start3A_175 = tpu.memref_slice %arg8[%dma_start3A_172, %dma_start3A_173, %dma_start3A_174] : memref<4x128x64xf32, #tpu.memory_space<vmem>> -> memref<1x128x64xf32, #tpu.memory_space<vmem>>
      %dma_start3A_176 = tpu.memref_squeeze %dma_start3A_175 : memref<1x128x64xf32, #tpu.memory_space<vmem>> -> memref<128x64xf32, #tpu.memory_space<vmem>>
      %dma_start3A_177 = arith.constant 0 : i32
      %dma_start3A_178 = tpu.memref_slice %arg5[%mul3A_2, %add3A_133, %dma_start3A_177] : memref<4096x200x64xf32, #tpu.memory_space<hbm>> -> memref<128x1x64xf32, #tpu.memory_space<hbm>>
      %dma_start3A_179 = tpu.memref_squeeze %dma_start3A_178 : memref<128x1x64xf32, #tpu.memory_space<hbm>> -> memref<128x64xf32, #tpu.memory_space<hbm>>
      %dma_start3A_180 = arith.constant 0 : i32
      %dma_start3A_181 = tpu.memref_slice %arg5[%mul3A_2, %add3A_133, %dma_start3A_180] : memref<4096x200x64xf32, #tpu.memory_space<hbm>> -> memref<128x1x64xf32, #tpu.memory_space<hbm>>
      %dma_start3A_182 = tpu.memref_squeeze %dma_start3A_181 : memref<128x1x64xf32, #tpu.memory_space<hbm>> -> memref<128x64xf32, #tpu.memory_space<hbm>>
      %dma_start3A_183 = arith.constant 0 : i32
      %dma_start3A_184 = arith.constant 0 : i32
      %dma_start3A_185 = tpu.memref_slice %arg8[%dma_start3A_172, %dma_start3A_183, %dma_start3A_184] : memref<4x128x64xf32, #tpu.memory_space<vmem>> -> memref<1x128x64xf32, #tpu.memory_space<vmem>>
      %dma_start3A_186 = tpu.memref_squeeze %dma_start3A_185 : memref<1x128x64xf32, #tpu.memory_space<vmem>> -> memref<128x64xf32, #tpu.memory_space<vmem>>
      tpu.enqueue_dma source(%dma_start3A_186 : memref<128x64xf32, #tpu.memory_space<vmem>>) target(%dma_start3A_182 : memref<128x64xf32, #tpu.memory_space<hbm>>) target_semaphore(%arg17 : memref<!tpu.dma_semaphore, #tpu.memory_space<semaphore_mem>>)
      %add3A_187 = arith.constant 1 : i32
      %add3A_188 = arith.addi %add3A_131, %add3A_187 : i32
      %lt3A_189 = arith.constant 198 : i32
      %lt3A_190 = arith.cmpi slt, %add3A_188, %lt3A_189 : i32
      %convert_element_type3A_191 = arith.extui %lt3A_190 : i1 to i32
      %cond3A_192 = arith.constant 0 : i32
      %cond3A_193 = arith.cmpi ne, %convert_element_type3A_191, %cond3A_192 : i32
      scf.if %cond3A_193 {
        %add3A_364 = arith.constant 2 : i32
        %add3A_365 = arith.addi %add3A_188, %add3A_364 : i32
        %dma_start3A_366 = arith.constant 3 : i32
        %dma_start3A_367 = arith.constant 0 : i32
        %dma_start3A_368 = tpu.memref_slice %arg7[%dma_start3A_366, %dma_start3A_367] : memref<4x128xi32, #tpu.memory_space<vmem>> -> memref<1x128xi32, #tpu.memory_space<vmem>>
        %dma_start3A_369 = tpu.memref_squeeze %dma_start3A_368 : memref<1x128xi32, #tpu.memory_space<vmem>> -> memref<128xi32, #tpu.memory_space<vmem>>
        %dma_start3A_370 = tpu.memref_slice %arg2[%add3A_365, %mul3A_2] : memref<200x4096xi32, #tpu.memory_space<hbm>> -> memref<1x128xi32, #tpu.memory_space<hbm>>
        %dma_start3A_371 = tpu.memref_squeeze %dma_start3A_370 : memref<1x128xi32, #tpu.memory_space<hbm>> -> memref<128xi32, #tpu.memory_space<hbm>>
        %dma_start3A_372 = arith.constant 0 : i32
        %dma_start3A_373 = tpu.memref_slice %arg7[%dma_start3A_366, %dma_start3A_372] : memref<4x128xi32, #tpu.memory_space<vmem>> -> memref<1x128xi32, #tpu.memory_space<vmem>>
        %dma_start3A_374 = tpu.memref_squeeze %dma_start3A_373 : memref<1x128xi32, #tpu.memory_space<vmem>> -> memref<128xi32, #tpu.memory_space<vmem>>
        %dma_start3A_375 = tpu.memref_slice %arg2[%add3A_365, %mul3A_2] : memref<200x4096xi32, #tpu.memory_space<hbm>> -> memref<1x128xi32, #tpu.memory_space<hbm>>
        %dma_start3A_376 = tpu.memref_squeeze %dma_start3A_375 : memref<1x128xi32, #tpu.memory_space<hbm>> -> memref<128xi32, #tpu.memory_space<hbm>>
        tpu.enqueue_dma source(%dma_start3A_376 : memref<128xi32, #tpu.memory_space<hbm>>) target(%dma_start3A_374 : memref<128xi32, #tpu.memory_space<vmem>>) target_semaphore(%arg12 : memref<!tpu.dma_semaphore, #tpu.memory_space<semaphore_mem>>)
      } else {
      }
      %lt3A_194 = arith.constant 199 : i32
      %lt3A_195 = arith.cmpi slt, %add3A_188, %lt3A_194 : i32
      %convert_element_type3A_196 = arith.extui %lt3A_195 : i1 to i32
      %cond3A_197 = arith.constant 0 : i32
      %cond3A_198 = arith.cmpi ne, %convert_element_type3A_196, %cond3A_197 : i32
      scf.if %cond3A_198 {
        %ge3A = arith.constant 3 : i32
        %ge3A_364 = arith.cmpi sge, %add3A_188, %ge3A : i32
        %convert_element_type3A_365 = arith.extui %ge3A_364 : i1 to i32
        %cond3A_366 = arith.constant 0 : i32
        %cond3A_367 = arith.cmpi ne, %convert_element_type3A_365, %cond3A_366 : i32
        scf.if %cond3A_367 {
          %dma_wait3A_394 = arith.constant 2 : i32
          %dma_wait3A_395 = arith.constant 0 : i32
          %dma_wait3A_396 = arith.constant 0 : i32
          %dma_wait3A_397 = arith.constant 0 : i32
          %dma_wait3A_398 = tpu.memref_slice %arg8[%dma_wait3A_394, %dma_wait3A_396, %dma_wait3A_397] : memref<4x128x64xf32, #tpu.memory_space<vmem>> -> memref<1x128x64xf32, #tpu.memory_space<vmem>>
          %dma_wait3A_399 = tpu.memref_squeeze %dma_wait3A_398 : memref<1x128x64xf32, #tpu.memory_space<vmem>> -> memref<128x64xf32, #tpu.memory_space<vmem>>
          %dma_wait3A_400 = arith.constant 0 : i32
          %dma_wait3A_401 = arith.constant 0 : i32
          %dma_wait3A_402 = tpu.memref_slice %arg5[%dma_wait3A_400, %dma_wait3A_395, %dma_wait3A_401] : memref<4096x200x64xf32, #tpu.memory_space<hbm>> -> memref<128x1x64xf32, #tpu.memory_space<hbm>>
          %dma_wait3A_403 = tpu.memref_squeeze %dma_wait3A_402 : memref<128x1x64xf32, #tpu.memory_space<hbm>> -> memref<128x64xf32, #tpu.memory_space<hbm>>
          %dma_wait3A_404 = arith.constant 0 : i32
          %dma_wait3A_405 = arith.constant 0 : i32
          %dma_wait3A_406 = tpu.memref_slice %arg5[%dma_wait3A_404, %dma_wait3A_395, %dma_wait3A_405] : memref<4096x200x64xf32, #tpu.memory_space<hbm>> -> memref<128x1x64xf32, #tpu.memory_space<hbm>>
          %dma_wait3A_407 = tpu.memref_squeeze %dma_wait3A_406 : memref<128x1x64xf32, #tpu.memory_space<hbm>> -> memref<128x64xf32, #tpu.memory_space<hbm>>
          %dma_wait3A_408 = arith.constant 0 : i32
          %dma_wait3A_409 = arith.constant 0 : i32
          %dma_wait3A_410 = tpu.memref_slice %arg8[%dma_wait3A_394, %dma_wait3A_408, %dma_wait3A_409] : memref<4x128x64xf32, #tpu.memory_space<vmem>> -> memref<1x128x64xf32, #tpu.memory_space<vmem>>
          %dma_wait3A_411 = tpu.memref_squeeze %dma_wait3A_410 : memref<1x128x64xf32, #tpu.memory_space<vmem>> -> memref<128x64xf32, #tpu.memory_space<vmem>>
          tpu.wait_dma2 semaphore(%arg19 : memref<!tpu.dma_semaphore, #tpu.memory_space<semaphore_mem>>) src(%dma_wait3A_411 : memref<128x64xf32, #tpu.memory_space<vmem>>) dst(%dma_wait3A_407 : memref<128x64xf32, #tpu.memory_space<hbm>>)
        } else {
        }
        %dma_wait3A_368 = arith.constant 0 : i32
        %dma_wait3A_369 = arith.constant 2 : i32
        %dma_wait3A_370 = arith.constant 0 : i32
        %dma_wait3A_371 = tpu.memref_slice %arg7[%dma_wait3A_369, %dma_wait3A_370] : memref<4x128xi32, #tpu.memory_space<vmem>> -> memref<1x128xi32, #tpu.memory_space<vmem>>
        %dma_wait3A_372 = tpu.memref_squeeze %dma_wait3A_371 : memref<1x128xi32, #tpu.memory_space<vmem>> -> memref<128xi32, #tpu.memory_space<vmem>>
        %dma_wait3A_373 = arith.constant 0 : i32
        %dma_wait3A_374 = tpu.memref_slice %arg2[%dma_wait3A_368, %dma_wait3A_373] : memref<200x4096xi32, #tpu.memory_space<hbm>> -> memref<1x128xi32, #tpu.memory_space<hbm>>
        %dma_wait3A_375 = tpu.memref_squeeze %dma_wait3A_374 : memref<1x128xi32, #tpu.memory_space<hbm>> -> memref<128xi32, #tpu.memory_space<hbm>>
        %dma_wait3A_376 = arith.constant 0 : i32
        %dma_wait3A_377 = tpu.memref_slice %arg7[%dma_wait3A_369, %dma_wait3A_376] : memref<4x128xi32, #tpu.memory_space<vmem>> -> memref<1x128xi32, #tpu.memory_space<vmem>>
        %dma_wait3A_378 = tpu.memref_squeeze %dma_wait3A_377 : memref<1x128xi32, #tpu.memory_space<vmem>> -> memref<128xi32, #tpu.memory_space<vmem>>
        %dma_wait3A_379 = arith.constant 0 : i32
        %dma_wait3A_380 = tpu.memref_slice %arg2[%dma_wait3A_368, %dma_wait3A_379] : memref<200x4096xi32, #tpu.memory_space<hbm>> -> memref<1x128xi32, #tpu.memory_space<hbm>>
        %dma_wait3A_381 = tpu.memref_squeeze %dma_wait3A_380 : memref<1x128xi32, #tpu.memory_space<hbm>> -> memref<128xi32, #tpu.memory_space<hbm>>
        tpu.wait_dma2 semaphore(%arg11 : memref<!tpu.dma_semaphore, #tpu.memory_space<semaphore_mem>>) src(%dma_wait3A_381 : memref<128xi32, #tpu.memory_space<hbm>>) dst(%dma_wait3A_378 : memref<128xi32, #tpu.memory_space<vmem>>)
        %dma_start3A_382 = arith.constant 2 : i32
        %dma_start3A_383 = arith.constant 2 : i32
        %dma_start3A_384 = arith.constant 0 : i32
        %dma_start3A_385 = arith.constant 0 : i32
        %dma_start3A_386 = tpu.memref_slice %arg8[%dma_start3A_383, %dma_start3A_384, %dma_start3A_385] : memref<4x128x64xf32, #tpu.memory_space<vmem>> -> memref<1x128x64xf32, #tpu.memory_space<vmem>>
        %dma_start3A_387 = tpu.memref_squeeze %dma_start3A_386 : memref<1x128x64xf32, #tpu.memory_space<vmem>> -> memref<128x64xf32, #tpu.memory_space<vmem>>
        %dma_start3A_388 = arith.constant 0 : i32
        %dma_start3A_389 = tpu.memref_slice %arg7[%dma_start3A_382, %dma_start3A_388] : memref<4x128xi32, #tpu.memory_space<vmem>> -> memref<1x128xi32, #tpu.memory_space<vmem>>
        %dma_start3A_390 = tpu.memref_squeeze %dma_start3A_389 : memref<1x128xi32, #tpu.memory_space<vmem>> -> memref<128xi32, #tpu.memory_space<vmem>>
        %dma_start3A_391 = arith.constant 0 : i32
        %dma_start3A_392 = arith.constant 0 : i32
        %dma_start3A_393 = tpu.memref_slice %arg4[%dma_start3A_391, %dma_start3A_392] : memref<1000000x64xf32, #tpu.memory_space<hbm>> -> memref<1000000x64xf32, #tpu.memory_space<hbm>>
        tpu.enqueue_indirect_dma source(%dma_start3A_393 : memref<1000000x64xf32, #tpu.memory_space<hbm>>) target(%dma_start3A_387 : memref<128x64xf32, #tpu.memory_space<vmem>>) offsets(%dma_start3A_390 : memref<128xi32, #tpu.memory_space<vmem>>) semaphore(%arg15 : memref<!tpu.dma_semaphore, #tpu.memory_space<semaphore_mem>>)
      } else {
      }
      %dma_wait3A_199 = arith.constant 1 : i32
      %dma_wait3A_200 = arith.constant 0 : i32
      %dma_wait3A_201 = arith.constant 0 : i32
      %dma_wait3A_202 = tpu.memref_slice %arg8[%dma_wait3A_199, %dma_wait3A_200, %dma_wait3A_201] : memref<4x128x64xf32, #tpu.memory_space<vmem>> -> memref<1x128x64xf32, #tpu.memory_space<vmem>>
      %dma_wait3A_203 = tpu.memref_squeeze %dma_wait3A_202 : memref<1x128x64xf32, #tpu.memory_space<vmem>> -> memref<128x64xf32, #tpu.memory_space<vmem>>
      %dma_wait3A_204 = arith.constant 0 : i32
      %dma_wait3A_205 = arith.constant 0 : i32
      %dma_wait3A_206 = tpu.memref_slice %arg4[%dma_wait3A_204, %dma_wait3A_205] : memref<1000000x64xf32, #tpu.memory_space<hbm>> -> memref<128x64xf32, #tpu.memory_space<hbm>>
      %dma_wait3A_207 = arith.constant 0 : i32
      %dma_wait3A_208 = arith.constant 0 : i32
      %dma_wait3A_209 = tpu.memref_slice %arg8[%dma_wait3A_199, %dma_wait3A_207, %dma_wait3A_208] : memref<4x128x64xf32, #tpu.memory_space<vmem>> -> memref<1x128x64xf32, #tpu.memory_space<vmem>>
      %dma_wait3A_210 = tpu.memref_squeeze %dma_wait3A_209 : memref<1x128x64xf32, #tpu.memory_space<vmem>> -> memref<128x64xf32, #tpu.memory_space<vmem>>
      %dma_wait3A_211 = arith.constant 0 : i32
      %dma_wait3A_212 = arith.constant 0 : i32
      %dma_wait3A_213 = tpu.memref_slice %arg4[%dma_wait3A_211, %dma_wait3A_212] : memref<1000000x64xf32, #tpu.memory_space<hbm>> -> memref<128x64xf32, #tpu.memory_space<hbm>>
      tpu.wait_dma2 semaphore(%arg14 : memref<!tpu.dma_semaphore, #tpu.memory_space<semaphore_mem>>) src(%dma_wait3A_213 : memref<128x64xf32, #tpu.memory_space<hbm>>) dst(%dma_wait3A_210 : memref<128x64xf32, #tpu.memory_space<vmem>>)
      %get3A_214 = arith.index_cast %add3A_188 : i32 to index
      %get3A_215 = arith.constant 0 : index
      %get3A_216 = tpu.vector_load %arg6[%get3A_214, %get3A_215] {strides = array<i32>} : memref<200x64xf32, #tpu.memory_space<vmem>>, vector<16xf32>,
      %get3A_217 = arith.index_cast %add3A_188 : i32 to index
      %get3A_218 = arith.constant 16 : index
      %get3A_219 = tpu.vector_load %arg6[%get3A_217, %get3A_218] {strides = array<i32>} : memref<200x64xf32, #tpu.memory_space<vmem>>, vector<16xf32>,
      %get3A_220 = arith.index_cast %add3A_188 : i32 to index
      %get3A_221 = arith.constant 32 : index
      %get3A_222 = tpu.vector_load %arg6[%get3A_220, %get3A_221] {strides = array<i32>} : memref<200x64xf32, #tpu.memory_space<vmem>>, vector<16xf32>,
      %get3A_223 = arith.index_cast %add3A_188 : i32 to index
      %get3A_224 = arith.constant 48 : index
      %get3A_225 = tpu.vector_load %arg6[%get3A_223, %get3A_224] {strides = array<i32>} : memref<200x64xf32, #tpu.memory_space<vmem>>, vector<16xf32>,
      %scan3A_226 = arith.constant 0 : i32
      %scan3A_227 = arith.constant 128 : i32
      %scan3A_228 = arith.addi %scan3A_226, %scan3A_227 : i32
      %scan3A_229 = arith.constant 1 : i32
      scf.for %scan3A_364 = %scan3A_226 to %scan3A_228 step %scan3A_229  : i32 {
        %mul3A_365 = arith.constant 1 : i32
        %mul3A_366 = arith.muli %scan3A_364, %mul3A_365 : i32
        %add3A_367 = arith.constant 0 : i32
        %add3A_368 = arith.addi %add3A_367, %mul3A_366 : i32
        %get3A_369 = arith.constant 1 : i32
        %get3A_370 = arith.index_cast %get3A_369 : i32 to index
        %get3A_371 = arith.index_cast %add3A_368 : i32 to index
        %get3A_372 = arith.constant 0 : index
        %get3A_373 = tpu.vector_load %arg8[%get3A_370, %get3A_371, %get3A_372] {strides = array<i32>} : memref<4x128x64xf32, #tpu.memory_space<vmem>>, vector<16xf32>,
        %add3A_374 = arith.addf %get3A_373, %get3A_216 : vector<16xf32>
        %swap3A = arith.constant 1 : i32
        %swap3A_375 = arith.index_cast %swap3A : i32 to index
        %swap3A_376 = arith.index_cast %add3A_368 : i32 to index
        %swap3A_377 = arith.constant 0 : index
        %swap3A_378 = tpu.vector_load %arg8[%swap3A_375, %swap3A_376, %swap3A_377] {strides = array<i32>} : memref<4x128x64xf32, #tpu.memory_space<vmem>>, vector<16xf32>,
        tpu.vector_store %arg8[%swap3A_375, %swap3A_376, %swap3A_377], %add3A_374 {strides = array<i32>} : memref<4x128x64xf32, #tpu.memory_space<vmem>>, vector<16xf32>,
        %get3A_379 = arith.constant 1 : i32
        %get3A_380 = arith.index_cast %get3A_379 : i32 to index
        %get3A_381 = arith.index_cast %add3A_368 : i32 to index
        %get3A_382 = arith.constant 16 : index
        %get3A_383 = tpu.vector_load %arg8[%get3A_380, %get3A_381, %get3A_382] {strides = array<i32>} : memref<4x128x64xf32, #tpu.memory_space<vmem>>, vector<16xf32>,
        %add3A_384 = arith.addf %get3A_383, %get3A_219 : vector<16xf32>
        %swap3A_385 = arith.constant 1 : i32
        %swap3A_386 = arith.index_cast %swap3A_385 : i32 to index
        %swap3A_387 = arith.index_cast %add3A_368 : i32 to index
        %swap3A_388 = arith.constant 16 : index
        %swap3A_389 = tpu.vector_load %arg8[%swap3A_386, %swap3A_387, %swap3A_388] {strides = array<i32>} : memref<4x128x64xf32, #tpu.memory_space<vmem>>, vector<16xf32>,
        tpu.vector_store %arg8[%swap3A_386, %swap3A_387, %swap3A_388], %add3A_384 {strides = array<i32>} : memref<4x128x64xf32, #tpu.memory_space<vmem>>, vector<16xf32>,
        %get3A_390 = arith.constant 1 : i32
        %get3A_391 = arith.index_cast %get3A_390 : i32 to index
        %get3A_392 = arith.index_cast %add3A_368 : i32 to index
        %get3A_393 = arith.constant 32 : index
        %get3A_394 = tpu.vector_load %arg8[%get3A_391, %get3A_392, %get3A_393] {strides = array<i32>} : memref<4x128x64xf32, #tpu.memory_space<vmem>>, vector<16xf32>,
        %add3A_395 = arith.addf %get3A_394, %get3A_222 : vector<16xf32>
        %swap3A_396 = arith.constant 1 : i32
        %swap3A_397 = arith.index_cast %swap3A_396 : i32 to index
        %swap3A_398 = arith.index_cast %add3A_368 : i32 to index
        %swap3A_399 = arith.constant 32 : index
        %swap3A_400 = tpu.vector_load %arg8[%swap3A_397, %swap3A_398, %swap3A_399] {strides = array<i32>} : memref<4x128x64xf32, #tpu.memory_space<vmem>>, vector<16xf32>,
        tpu.vector_store %arg8[%swap3A_397, %swap3A_398, %swap3A_399], %add3A_395 {strides = array<i32>} : memref<4x128x64xf32, #tpu.memory_space<vmem>>, vector<16xf32>,
        %get3A_401 = arith.constant 1 : i32
        %get3A_402 = arith.index_cast %get3A_401 : i32 to index
        %get3A_403 = arith.index_cast %add3A_368 : i32 to index
        %get3A_404 = arith.constant 48 : index
        %get3A_405 = tpu.vector_load %arg8[%get3A_402, %get3A_403, %get3A_404] {strides = array<i32>} : memref<4x128x64xf32, #tpu.memory_space<vmem>>, vector<16xf32>,
        %add3A_406 = arith.addf %get3A_405, %get3A_225 : vector<16xf32>
        %swap3A_407 = arith.constant 1 : i32
        %swap3A_408 = arith.index_cast %swap3A_407 : i32 to index
        %swap3A_409 = arith.index_cast %add3A_368 : i32 to index
        %swap3A_410 = arith.constant 48 : index
        %swap3A_411 = tpu.vector_load %arg8[%swap3A_408, %swap3A_409, %swap3A_410] {strides = array<i32>} : memref<4x128x64xf32, #tpu.memory_space<vmem>>, vector<16xf32>,
        tpu.vector_store %arg8[%swap3A_408, %swap3A_409, %swap3A_410], %add3A_406 {strides = array<i32>} : memref<4x128x64xf32, #tpu.memory_space<vmem>>, vector<16xf32>,
      }
      %scan3A_230 = arith.constant 128 : i32
      %dma_start3A_231 = arith.constant 1 : i32
      %dma_start3A_232 = arith.constant 0 : i32
      %dma_start3A_233 = arith.constant 0 : i32
      %dma_start3A_234 = tpu.memref_slice %arg8[%dma_start3A_231, %dma_start3A_232, %dma_start3A_233] : memref<4x128x64xf32, #tpu.memory_space<vmem>> -> memref<1x128x64xf32, #tpu.memory_space<vmem>>
      %dma_start3A_235 = tpu.memref_squeeze %dma_start3A_234 : memref<1x128x64xf32, #tpu.memory_space<vmem>> -> memref<128x64xf32, #tpu.memory_space<vmem>>
      %dma_start3A_236 = arith.constant 0 : i32
      %dma_start3A_237 = tpu.memref_slice %arg5[%mul3A_2, %add3A_188, %dma_start3A_236] : memref<4096x200x64xf32, #tpu.memory_space<hbm>> -> memref<128x1x64xf32, #tpu.memory_space<hbm>>
      %dma_start3A_238 = tpu.memref_squeeze %dma_start3A_237 : memref<128x1x64xf32, #tpu.memory_space<hbm>> -> memref<128x64xf32, #tpu.memory_space<hbm>>
      %dma_start3A_239 = arith.constant 0 : i32
      %dma_start3A_240 = tpu.memref_slice %arg5[%mul3A_2, %add3A_188, %dma_start3A_239] : memref<4096x200x64xf32, #tpu.memory_space<hbm>> -> memref<128x1x64xf32, #tpu.memory_space<hbm>>
      %dma_start3A_241 = tpu.memref_squeeze %dma_start3A_240 : memref<128x1x64xf32, #tpu.memory_space<hbm>> -> memref<128x64xf32, #tpu.memory_space<hbm>>
      %dma_start3A_242 = arith.constant 0 : i32
      %dma_start3A_243 = arith.constant 0 : i32
      %dma_start3A_244 = tpu.memref_slice %arg8[%dma_start3A_231, %dma_start3A_242, %dma_start3A_243] : memref<4x128x64xf32, #tpu.memory_space<vmem>> -> memref<1x128x64xf32, #tpu.memory_space<vmem>>
      %dma_start3A_245 = tpu.memref_squeeze %dma_start3A_244 : memref<1x128x64xf32, #tpu.memory_space<vmem>> -> memref<128x64xf32, #tpu.memory_space<vmem>>
      tpu.enqueue_dma source(%dma_start3A_245 : memref<128x64xf32, #tpu.memory_space<vmem>>) target(%dma_start3A_241 : memref<128x64xf32, #tpu.memory_space<hbm>>) target_semaphore(%arg18 : memref<!tpu.dma_semaphore, #tpu.memory_space<semaphore_mem>>)
      %add3A_246 = arith.constant 2 : i32
      %add3A_247 = arith.addi %add3A_131, %add3A_246 : i32
      %lt3A_248 = arith.constant 198 : i32
      %lt3A_249 = arith.cmpi slt, %add3A_247, %lt3A_248 : i32
      %convert_element_type3A_250 = arith.extui %lt3A_249 : i1 to i32
      %cond3A_251 = arith.constant 0 : i32
      %cond3A_252 = arith.cmpi ne, %convert_element_type3A_250, %cond3A_251 : i32
      scf.if %cond3A_252 {
        %add3A_364 = arith.constant 2 : i32
        %add3A_365 = arith.addi %add3A_247, %add3A_364 : i32
        %dma_start3A_366 = arith.constant 0 : i32
        %dma_start3A_367 = arith.constant 0 : i32
        %dma_start3A_368 = tpu.memref_slice %arg7[%dma_start3A_366, %dma_start3A_367] : memref<4x128xi32, #tpu.memory_space<vmem>> -> memref<1x128xi32, #tpu.memory_space<vmem>>
        %dma_start3A_369 = tpu.memref_squeeze %dma_start3A_368 : memref<1x128xi32, #tpu.memory_space<vmem>> -> memref<128xi32, #tpu.memory_space<vmem>>
        %dma_start3A_370 = tpu.memref_slice %arg2[%add3A_365, %mul3A_2] : memref<200x4096xi32, #tpu.memory_space<hbm>> -> memref<1x128xi32, #tpu.memory_space<hbm>>
        %dma_start3A_371 = tpu.memref_squeeze %dma_start3A_370 : memref<1x128xi32, #tpu.memory_space<hbm>> -> memref<128xi32, #tpu.memory_space<hbm>>
        %dma_start3A_372 = arith.constant 0 : i32
        %dma_start3A_373 = tpu.memref_slice %arg7[%dma_start3A_366, %dma_start3A_372] : memref<4x128xi32, #tpu.memory_space<vmem>> -> memref<1x128xi32, #tpu.memory_space<vmem>>
        %dma_start3A_374 = tpu.memref_squeeze %dma_start3A_373 : memref<1x128xi32, #tpu.memory_space<vmem>> -> memref<128xi32, #tpu.memory_space<vmem>>
        %dma_start3A_375 = tpu.memref_slice %arg2[%add3A_365, %mul3A_2] : memref<200x4096xi32, #tpu.memory_space<hbm>> -> memref<1x128xi32, #tpu.memory_space<hbm>>
        %dma_start3A_376 = tpu.memref_squeeze %dma_start3A_375 : memref<1x128xi32, #tpu.memory_space<hbm>> -> memref<128xi32, #tpu.memory_space<hbm>>
        tpu.enqueue_dma source(%dma_start3A_376 : memref<128xi32, #tpu.memory_space<hbm>>) target(%dma_start3A_374 : memref<128xi32, #tpu.memory_space<vmem>>) target_semaphore(%arg9 : memref<!tpu.dma_semaphore, #tpu.memory_space<semaphore_mem>>)
      } else {
      }
      %lt3A_253 = arith.constant 199 : i32
      %lt3A_254 = arith.cmpi slt, %add3A_247, %lt3A_253 : i32
      %convert_element_type3A_255 = arith.extui %lt3A_254 : i1 to i32
      %cond3A_256 = arith.constant 0 : i32
      %cond3A_257 = arith.cmpi ne, %convert_element_type3A_255, %cond3A_256 : i32
      scf.if %cond3A_257 {
        %ge3A = arith.constant 3 : i32
        %ge3A_364 = arith.cmpi sge, %add3A_247, %ge3A : i32
        %convert_element_type3A_365 = arith.extui %ge3A_364 : i1 to i32
        %cond3A_366 = arith.constant 0 : i32
        %cond3A_367 = arith.cmpi ne, %convert_element_type3A_365, %cond3A_366 : i32
        scf.if %cond3A_367 {
          %dma_wait3A_394 = arith.constant 3 : i32
          %dma_wait3A_395 = arith.constant 0 : i32
          %dma_wait3A_396 = arith.constant 0 : i32
          %dma_wait3A_397 = arith.constant 0 : i32
          %dma_wait3A_398 = tpu.memref_slice %arg8[%dma_wait3A_394, %dma_wait3A_396, %dma_wait3A_397] : memref<4x128x64xf32, #tpu.memory_space<vmem>> -> memref<1x128x64xf32, #tpu.memory_space<vmem>>
          %dma_wait3A_399 = tpu.memref_squeeze %dma_wait3A_398 : memref<1x128x64xf32, #tpu.memory_space<vmem>> -> memref<128x64xf32, #tpu.memory_space<vmem>>
          %dma_wait3A_400 = arith.constant 0 : i32
          %dma_wait3A_401 = arith.constant 0 : i32
          %dma_wait3A_402 = tpu.memref_slice %arg5[%dma_wait3A_400, %dma_wait3A_395, %dma_wait3A_401] : memref<4096x200x64xf32, #tpu.memory_space<hbm>> -> memref<128x1x64xf32, #tpu.memory_space<hbm>>
          %dma_wait3A_403 = tpu.memref_squeeze %dma_wait3A_402 : memref<128x1x64xf32, #tpu.memory_space<hbm>> -> memref<128x64xf32, #tpu.memory_space<hbm>>
          %dma_wait3A_404 = arith.constant 0 : i32
          %dma_wait3A_405 = arith.constant 0 : i32
          %dma_wait3A_406 = tpu.memref_slice %arg5[%dma_wait3A_404, %dma_wait3A_395, %dma_wait3A_405] : memref<4096x200x64xf32, #tpu.memory_space<hbm>> -> memref<128x1x64xf32, #tpu.memory_space<hbm>>
          %dma_wait3A_407 = tpu.memref_squeeze %dma_wait3A_406 : memref<128x1x64xf32, #tpu.memory_space<hbm>> -> memref<128x64xf32, #tpu.memory_space<hbm>>
          %dma_wait3A_408 = arith.constant 0 : i32
          %dma_wait3A_409 = arith.constant 0 : i32
          %dma_wait3A_410 = tpu.memref_slice %arg8[%dma_wait3A_394, %dma_wait3A_408, %dma_wait3A_409] : memref<4x128x64xf32, #tpu.memory_space<vmem>> -> memref<1x128x64xf32, #tpu.memory_space<vmem>>
          %dma_wait3A_411 = tpu.memref_squeeze %dma_wait3A_410 : memref<1x128x64xf32, #tpu.memory_space<vmem>> -> memref<128x64xf32, #tpu.memory_space<vmem>>
          tpu.wait_dma2 semaphore(%arg20 : memref<!tpu.dma_semaphore, #tpu.memory_space<semaphore_mem>>) src(%dma_wait3A_411 : memref<128x64xf32, #tpu.memory_space<vmem>>) dst(%dma_wait3A_407 : memref<128x64xf32, #tpu.memory_space<hbm>>)
        } else {
        }
        %dma_wait3A_368 = arith.constant 0 : i32
        %dma_wait3A_369 = arith.constant 3 : i32
        %dma_wait3A_370 = arith.constant 0 : i32
        %dma_wait3A_371 = tpu.memref_slice %arg7[%dma_wait3A_369, %dma_wait3A_370] : memref<4x128xi32, #tpu.memory_space<vmem>> -> memref<1x128xi32, #tpu.memory_space<vmem>>
        %dma_wait3A_372 = tpu.memref_squeeze %dma_wait3A_371 : memref<1x128xi32, #tpu.memory_space<vmem>> -> memref<128xi32, #tpu.memory_space<vmem>>
        %dma_wait3A_373 = arith.constant 0 : i32
        %dma_wait3A_374 = tpu.memref_slice %arg2[%dma_wait3A_368, %dma_wait3A_373] : memref<200x4096xi32, #tpu.memory_space<hbm>> -> memref<1x128xi32, #tpu.memory_space<hbm>>
        %dma_wait3A_375 = tpu.memref_squeeze %dma_wait3A_374 : memref<1x128xi32, #tpu.memory_space<hbm>> -> memref<128xi32, #tpu.memory_space<hbm>>
        %dma_wait3A_376 = arith.constant 0 : i32
        %dma_wait3A_377 = tpu.memref_slice %arg7[%dma_wait3A_369, %dma_wait3A_376] : memref<4x128xi32, #tpu.memory_space<vmem>> -> memref<1x128xi32, #tpu.memory_space<vmem>>
        %dma_wait3A_378 = tpu.memref_squeeze %dma_wait3A_377 : memref<1x128xi32, #tpu.memory_space<vmem>> -> memref<128xi32, #tpu.memory_space<vmem>>
        %dma_wait3A_379 = arith.constant 0 : i32
        %dma_wait3A_380 = tpu.memref_slice %arg2[%dma_wait3A_368, %dma_wait3A_379] : memref<200x4096xi32, #tpu.memory_space<hbm>> -> memref<1x128xi32, #tpu.memory_space<hbm>>
        %dma_wait3A_381 = tpu.memref_squeeze %dma_wait3A_380 : memref<1x128xi32, #tpu.memory_space<hbm>> -> memref<128xi32, #tpu.memory_space<hbm>>
        tpu.wait_dma2 semaphore(%arg12 : memref<!tpu.dma_semaphore, #tpu.memory_space<semaphore_mem>>) src(%dma_wait3A_381 : memref<128xi32, #tpu.memory_space<hbm>>) dst(%dma_wait3A_378 : memref<128xi32, #tpu.memory_space<vmem>>)
        %dma_start3A_382 = arith.constant 3 : i32
        %dma_start3A_383 = arith.constant 3 : i32
        %dma_start3A_384 = arith.constant 0 : i32
        %dma_start3A_385 = arith.constant 0 : i32
        %dma_start3A_386 = tpu.memref_slice %arg8[%dma_start3A_383, %dma_start3A_384, %dma_start3A_385] : memref<4x128x64xf32, #tpu.memory_space<vmem>> -> memref<1x128x64xf32, #tpu.memory_space<vmem>>
        %dma_start3A_387 = tpu.memref_squeeze %dma_start3A_386 : memref<1x128x64xf32, #tpu.memory_space<vmem>> -> memref<128x64xf32, #tpu.memory_space<vmem>>
        %dma_start3A_388 = arith.constant 0 : i32
        %dma_start3A_389 = tpu.memref_slice %arg7[%dma_start3A_382, %dma_start3A_388] : memref<4x128xi32, #tpu.memory_space<vmem>> -> memref<1x128xi32, #tpu.memory_space<vmem>>
        %dma_start3A_390 = tpu.memref_squeeze %dma_start3A_389 : memref<1x128xi32, #tpu.memory_space<vmem>> -> memref<128xi32, #tpu.memory_space<vmem>>
        %dma_start3A_391 = arith.constant 0 : i32
        %dma_start3A_392 = arith.constant 0 : i32
        %dma_start3A_393 = tpu.memref_slice %arg4[%dma_start3A_391, %dma_start3A_392] : memref<1000000x64xf32, #tpu.memory_space<hbm>> -> memref<1000000x64xf32, #tpu.memory_space<hbm>>
        tpu.enqueue_indirect_dma source(%dma_start3A_393 : memref<1000000x64xf32, #tpu.memory_space<hbm>>) target(%dma_start3A_387 : memref<128x64xf32, #tpu.memory_space<vmem>>) offsets(%dma_start3A_390 : memref<128xi32, #tpu.memory_space<vmem>>) semaphore(%arg16 : memref<!tpu.dma_semaphore, #tpu.memory_space<semaphore_mem>>)
      } else {
      }
      %dma_wait3A_258 = arith.constant 2 : i32
      %dma_wait3A_259 = arith.constant 0 : i32
      %dma_wait3A_260 = arith.constant 0 : i32
      %dma_wait3A_261 = tpu.memref_slice %arg8[%dma_wait3A_258, %dma_wait3A_259, %dma_wait3A_260] : memref<4x128x64xf32, #tpu.memory_space<vmem>> -> memref<1x128x64xf32, #tpu.memory_space<vmem>>
      %dma_wait3A_262 = tpu.memref_squeeze %dma_wait3A_261 : memref<1x128x64xf32, #tpu.memory_space<vmem>> -> memref<128x64xf32, #tpu.memory_space<vmem>>
      %dma_wait3A_263 = arith.constant 0 : i32
      %dma_wait3A_264 = arith.constant 0 : i32
      %dma_wait3A_265 = tpu.memref_slice %arg4[%dma_wait3A_263, %dma_wait3A_264] : memref<1000000x64xf32, #tpu.memory_space<hbm>> -> memref<128x64xf32, #tpu.memory_space<hbm>>
      %dma_wait3A_266 = arith.constant 0 : i32
      %dma_wait3A_267 = arith.constant 0 : i32
      %dma_wait3A_268 = tpu.memref_slice %arg8[%dma_wait3A_258, %dma_wait3A_266, %dma_wait3A_267] : memref<4x128x64xf32, #tpu.memory_space<vmem>> -> memref<1x128x64xf32, #tpu.memory_space<vmem>>
      %dma_wait3A_269 = tpu.memref_squeeze %dma_wait3A_268 : memref<1x128x64xf32, #tpu.memory_space<vmem>> -> memref<128x64xf32, #tpu.memory_space<vmem>>
      %dma_wait3A_270 = arith.constant 0 : i32
      %dma_wait3A_271 = arith.constant 0 : i32
      %dma_wait3A_272 = tpu.memref_slice %arg4[%dma_wait3A_270, %dma_wait3A_271] : memref<1000000x64xf32, #tpu.memory_space<hbm>> -> memref<128x64xf32, #tpu.memory_space<hbm>>
      tpu.wait_dma2 semaphore(%arg15 : memref<!tpu.dma_semaphore, #tpu.memory_space<semaphore_mem>>) src(%dma_wait3A_272 : memref<128x64xf32, #tpu.memory_space<hbm>>) dst(%dma_wait3A_269 : memref<128x64xf32, #tpu.memory_space<vmem>>)
      %get3A_273 = arith.index_cast %add3A_247 : i32 to index
      %get3A_274 = arith.constant 0 : index
      %get3A_275 = tpu.vector_load %arg6[%get3A_273, %get3A_274] {strides = array<i32>} : memref<200x64xf32, #tpu.memory_space<vmem>>, vector<16xf32>,
      %get3A_276 = arith.index_cast %add3A_247 : i32 to index
      %get3A_277 = arith.constant 16 : index
      %get3A_278 = tpu.vector_load %arg6[%get3A_276, %get3A_277] {strides = array<i32>} : memref<200x64xf32, #tpu.memory_space<vmem>>, vector<16xf32>,
      %get3A_279 = arith.index_cast %add3A_247 : i32 to index
      %get3A_280 = arith.constant 32 : index
      %get3A_281 = tpu.vector_load %arg6[%get3A_279, %get3A_280] {strides = array<i32>} : memref<200x64xf32, #tpu.memory_space<vmem>>, vector<16xf32>,
      %get3A_282 = arith.index_cast %add3A_247 : i32 to index
      %get3A_283 = arith.constant 48 : index
      %get3A_284 = tpu.vector_load %arg6[%get3A_282, %get3A_283] {strides = array<i32>} : memref<200x64xf32, #tpu.memory_space<vmem>>, vector<16xf32>,
      %scan3A_285 = arith.constant 0 : i32
      %scan3A_286 = arith.constant 128 : i32
      %scan3A_287 = arith.addi %scan3A_285, %scan3A_286 : i32
      %scan3A_288 = arith.constant 1 : i32
      scf.for %scan3A_364 = %scan3A_285 to %scan3A_287 step %scan3A_288  : i32 {
        %mul3A_365 = arith.constant 1 : i32
        %mul3A_366 = arith.muli %scan3A_364, %mul3A_365 : i32
        %add3A_367 = arith.constant 0 : i32
        %add3A_368 = arith.addi %add3A_367, %mul3A_366 : i32
        %get3A_369 = arith.constant 2 : i32
        %get3A_370 = arith.index_cast %get3A_369 : i32 to index
        %get3A_371 = arith.index_cast %add3A_368 : i32 to index
        %get3A_372 = arith.constant 0 : index
        %get3A_373 = tpu.vector_load %arg8[%get3A_370, %get3A_371, %get3A_372] {strides = array<i32>} : memref<4x128x64xf32, #tpu.memory_space<vmem>>, vector<16xf32>,
        %add3A_374 = arith.addf %get3A_373, %get3A_275 : vector<16xf32>
        %swap3A = arith.constant 2 : i32
        %swap3A_375 = arith.index_cast %swap3A : i32 to index
        %swap3A_376 = arith.index_cast %add3A_368 : i32 to index
        %swap3A_377 = arith.constant 0 : index
        %swap3A_378 = tpu.vector_load %arg8[%swap3A_375, %swap3A_376, %swap3A_377] {strides = array<i32>} : memref<4x128x64xf32, #tpu.memory_space<vmem>>, vector<16xf32>,
        tpu.vector_store %arg8[%swap3A_375, %swap3A_376, %swap3A_377], %add3A_374 {strides = array<i32>} : memref<4x128x64xf32, #tpu.memory_space<vmem>>, vector<16xf32>,
        %get3A_379 = arith.constant 2 : i32
        %get3A_380 = arith.index_cast %get3A_379 : i32 to index
        %get3A_381 = arith.index_cast %add3A_368 : i32 to index
        %get3A_382 = arith.constant 16 : index
        %get3A_383 = tpu.vector_load %arg8[%get3A_380, %get3A_381, %get3A_382] {strides = array<i32>} : memref<4x128x64xf32, #tpu.memory_space<vmem>>, vector<16xf32>,
        %add3A_384 = arith.addf %get3A_383, %get3A_278 : vector<16xf32>
        %swap3A_385 = arith.constant 2 : i32
        %swap3A_386 = arith.index_cast %swap3A_385 : i32 to index
        %swap3A_387 = arith.index_cast %add3A_368 : i32 to index
        %swap3A_388 = arith.constant 16 : index
        %swap3A_389 = tpu.vector_load %arg8[%swap3A_386, %swap3A_387, %swap3A_388] {strides = array<i32>} : memref<4x128x64xf32, #tpu.memory_space<vmem>>, vector<16xf32>,
        tpu.vector_store %arg8[%swap3A_386, %swap3A_387, %swap3A_388], %add3A_384 {strides = array<i32>} : memref<4x128x64xf32, #tpu.memory_space<vmem>>, vector<16xf32>,
        %get3A_390 = arith.constant 2 : i32
        %get3A_391 = arith.index_cast %get3A_390 : i32 to index
        %get3A_392 = arith.index_cast %add3A_368 : i32 to index
        %get3A_393 = arith.constant 32 : index
        %get3A_394 = tpu.vector_load %arg8[%get3A_391, %get3A_392, %get3A_393] {strides = array<i32>} : memref<4x128x64xf32, #tpu.memory_space<vmem>>, vector<16xf32>,
        %add3A_395 = arith.addf %get3A_394, %get3A_281 : vector<16xf32>
        %swap3A_396 = arith.constant 2 : i32
        %swap3A_397 = arith.index_cast %swap3A_396 : i32 to index
        %swap3A_398 = arith.index_cast %add3A_368 : i32 to index
        %swap3A_399 = arith.constant 32 : index
        %swap3A_400 = tpu.vector_load %arg8[%swap3A_397, %swap3A_398, %swap3A_399] {strides = array<i32>} : memref<4x128x64xf32, #tpu.memory_space<vmem>>, vector<16xf32>,
        tpu.vector_store %arg8[%swap3A_397, %swap3A_398, %swap3A_399], %add3A_395 {strides = array<i32>} : memref<4x128x64xf32, #tpu.memory_space<vmem>>, vector<16xf32>,
        %get3A_401 = arith.constant 2 : i32
        %get3A_402 = arith.index_cast %get3A_401 : i32 to index
        %get3A_403 = arith.index_cast %add3A_368 : i32 to index
        %get3A_404 = arith.constant 48 : index
        %get3A_405 = tpu.vector_load %arg8[%get3A_402, %get3A_403, %get3A_404] {strides = array<i32>} : memref<4x128x64xf32, #tpu.memory_space<vmem>>, vector<16xf32>,
        %add3A_406 = arith.addf %get3A_405, %get3A_284 : vector<16xf32>
        %swap3A_407 = arith.constant 2 : i32
        %swap3A_408 = arith.index_cast %swap3A_407 : i32 to index
        %swap3A_409 = arith.index_cast %add3A_368 : i32 to index
        %swap3A_410 = arith.constant 48 : index
        %swap3A_411 = tpu.vector_load %arg8[%swap3A_408, %swap3A_409, %swap3A_410] {strides = array<i32>} : memref<4x128x64xf32, #tpu.memory_space<vmem>>, vector<16xf32>,
        tpu.vector_store %arg8[%swap3A_408, %swap3A_409, %swap3A_410], %add3A_406 {strides = array<i32>} : memref<4x128x64xf32, #tpu.memory_space<vmem>>, vector<16xf32>,
      }
      %scan3A_289 = arith.constant 128 : i32
      %dma_start3A_290 = arith.constant 2 : i32
      %dma_start3A_291 = arith.constant 0 : i32
      %dma_start3A_292 = arith.constant 0 : i32
      %dma_start3A_293 = tpu.memref_slice %arg8[%dma_start3A_290, %dma_start3A_291, %dma_start3A_292] : memref<4x128x64xf32, #tpu.memory_space<vmem>> -> memref<1x128x64xf32, #tpu.memory_space<vmem>>
      %dma_start3A_294 = tpu.memref_squeeze %dma_start3A_293 : memref<1x128x64xf32, #tpu.memory_space<vmem>> -> memref<128x64xf32, #tpu.memory_space<vmem>>
      %dma_start3A_295 = arith.constant 0 : i32
      %dma_start3A_296 = tpu.memref_slice %arg5[%mul3A_2, %add3A_247, %dma_start3A_295] : memref<4096x200x64xf32, #tpu.memory_space<hbm>> -> memref<128x1x64xf32, #tpu.memory_space<hbm>>
      %dma_start3A_297 = tpu.memref_squeeze %dma_start3A_296 : memref<128x1x64xf32, #tpu.memory_space<hbm>> -> memref<128x64xf32, #tpu.memory_space<hbm>>
      %dma_start3A_298 = arith.constant 0 : i32
      %dma_start3A_299 = tpu.memref_slice %arg5[%mul3A_2, %add3A_247, %dma_start3A_298] : memref<4096x200x64xf32, #tpu.memory_space<hbm>> -> memref<128x1x64xf32, #tpu.memory_space<hbm>>
      %dma_start3A_300 = tpu.memref_squeeze %dma_start3A_299 : memref<128x1x64xf32, #tpu.memory_space<hbm>> -> memref<128x64xf32, #tpu.memory_space<hbm>>
      %dma_start3A_301 = arith.constant 0 : i32
      %dma_start3A_302 = arith.constant 0 : i32
      %dma_start3A_303 = tpu.memref_slice %arg8[%dma_start3A_290, %dma_start3A_301, %dma_start3A_302] : memref<4x128x64xf32, #tpu.memory_space<vmem>> -> memref<1x128x64xf32, #tpu.memory_space<vmem>>
      %dma_start3A_304 = tpu.memref_squeeze %dma_start3A_303 : memref<1x128x64xf32, #tpu.memory_space<vmem>> -> memref<128x64xf32, #tpu.memory_space<vmem>>
      tpu.enqueue_dma source(%dma_start3A_304 : memref<128x64xf32, #tpu.memory_space<vmem>>) target(%dma_start3A_300 : memref<128x64xf32, #tpu.memory_space<hbm>>) target_semaphore(%arg19 : memref<!tpu.dma_semaphore, #tpu.memory_space<semaphore_mem>>)
      %add3A_305 = arith.constant 3 : i32
      %add3A_306 = arith.addi %add3A_131, %add3A_305 : i32
      %lt3A_307 = arith.constant 198 : i32
      %lt3A_308 = arith.cmpi slt, %add3A_306, %lt3A_307 : i32
      %convert_element_type3A_309 = arith.extui %lt3A_308 : i1 to i32
      %cond3A_310 = arith.constant 0 : i32
      %cond3A_311 = arith.cmpi ne, %convert_element_type3A_309, %cond3A_310 : i32
      scf.if %cond3A_311 {
        %add3A_364 = arith.constant 2 : i32
        %add3A_365 = arith.addi %add3A_306, %add3A_364 : i32
        %dma_start3A_366 = arith.constant 1 : i32
        %dma_start3A_367 = arith.constant 0 : i32
        %dma_start3A_368 = tpu.memref_slice %arg7[%dma_start3A_366, %dma_start3A_367] : memref<4x128xi32, #tpu.memory_space<vmem>> -> memref<1x128xi32, #tpu.memory_space<vmem>>
        %dma_start3A_369 = tpu.memref_squeeze %dma_start3A_368 : memref<1x128xi32, #tpu.memory_space<vmem>> -> memref<128xi32, #tpu.memory_space<vmem>>
        %dma_start3A_370 = tpu.memref_slice %arg2[%add3A_365, %mul3A_2] : memref<200x4096xi32, #tpu.memory_space<hbm>> -> memref<1x128xi32, #tpu.memory_space<hbm>>
        %dma_start3A_371 = tpu.memref_squeeze %dma_start3A_370 : memref<1x128xi32, #tpu.memory_space<hbm>> -> memref<128xi32, #tpu.memory_space<hbm>>
        %dma_start3A_372 = arith.constant 0 : i32
        %dma_start3A_373 = tpu.memref_slice %arg7[%dma_start3A_366, %dma_start3A_372] : memref<4x128xi32, #tpu.memory_space<vmem>> -> memref<1x128xi32, #tpu.memory_space<vmem>>
        %dma_start3A_374 = tpu.memref_squeeze %dma_start3A_373 : memref<1x128xi32, #tpu.memory_space<vmem>> -> memref<128xi32, #tpu.memory_space<vmem>>
        %dma_start3A_375 = tpu.memref_slice %arg2[%add3A_365, %mul3A_2] : memref<200x4096xi32, #tpu.memory_space<hbm>> -> memref<1x128xi32, #tpu.memory_space<hbm>>
        %dma_start3A_376 = tpu.memref_squeeze %dma_start3A_375 : memref<1x128xi32, #tpu.memory_space<hbm>> -> memref<128xi32, #tpu.memory_space<hbm>>
        tpu.enqueue_dma source(%dma_start3A_376 : memref<128xi32, #tpu.memory_space<hbm>>) target(%dma_start3A_374 : memref<128xi32, #tpu.memory_space<vmem>>) target_semaphore(%arg10 : memref<!tpu.dma_semaphore, #tpu.memory_space<semaphore_mem>>)
      } else {
      }
      %lt3A_312 = arith.constant 199 : i32
      %lt3A_313 = arith.cmpi slt, %add3A_306, %lt3A_312 : i32
      %convert_element_type3A_314 = arith.extui %lt3A_313 : i1 to i32
      %cond3A_315 = arith.constant 0 : i32
      %cond3A_316 = arith.cmpi ne, %convert_element_type3A_314, %cond3A_315 : i32
      scf.if %cond3A_316 {
        %ge3A = arith.constant 3 : i32
        %ge3A_364 = arith.cmpi sge, %add3A_306, %ge3A : i32
        %convert_element_type3A_365 = arith.extui %ge3A_364 : i1 to i32
        %cond3A_366 = arith.constant 0 : i32
        %cond3A_367 = arith.cmpi ne, %convert_element_type3A_365, %cond3A_366 : i32
        scf.if %cond3A_367 {
          %dma_wait3A_394 = arith.constant 0 : i32
          %dma_wait3A_395 = arith.constant 0 : i32
          %dma_wait3A_396 = arith.constant 0 : i32
          %dma_wait3A_397 = arith.constant 0 : i32
          %dma_wait3A_398 = tpu.memref_slice %arg8[%dma_wait3A_394, %dma_wait3A_396, %dma_wait3A_397] : memref<4x128x64xf32, #tpu.memory_space<vmem>> -> memref<1x128x64xf32, #tpu.memory_space<vmem>>
          %dma_wait3A_399 = tpu.memref_squeeze %dma_wait3A_398 : memref<1x128x64xf32, #tpu.memory_space<vmem>> -> memref<128x64xf32, #tpu.memory_space<vmem>>
          %dma_wait3A_400 = arith.constant 0 : i32
          %dma_wait3A_401 = arith.constant 0 : i32
          %dma_wait3A_402 = tpu.memref_slice %arg5[%dma_wait3A_400, %dma_wait3A_395, %dma_wait3A_401] : memref<4096x200x64xf32, #tpu.memory_space<hbm>> -> memref<128x1x64xf32, #tpu.memory_space<hbm>>
          %dma_wait3A_403 = tpu.memref_squeeze %dma_wait3A_402 : memref<128x1x64xf32, #tpu.memory_space<hbm>> -> memref<128x64xf32, #tpu.memory_space<hbm>>
          %dma_wait3A_404 = arith.constant 0 : i32
          %dma_wait3A_405 = arith.constant 0 : i32
          %dma_wait3A_406 = tpu.memref_slice %arg5[%dma_wait3A_404, %dma_wait3A_395, %dma_wait3A_405] : memref<4096x200x64xf32, #tpu.memory_space<hbm>> -> memref<128x1x64xf32, #tpu.memory_space<hbm>>
          %dma_wait3A_407 = tpu.memref_squeeze %dma_wait3A_406 : memref<128x1x64xf32, #tpu.memory_space<hbm>> -> memref<128x64xf32, #tpu.memory_space<hbm>>
          %dma_wait3A_408 = arith.constant 0 : i32
          %dma_wait3A_409 = arith.constant 0 : i32
          %dma_wait3A_410 = tpu.memref_slice %arg8[%dma_wait3A_394, %dma_wait3A_408, %dma_wait3A_409] : memref<4x128x64xf32, #tpu.memory_space<vmem>> -> memref<1x128x64xf32, #tpu.memory_space<vmem>>
          %dma_wait3A_411 = tpu.memref_squeeze %dma_wait3A_410 : memref<1x128x64xf32, #tpu.memory_space<vmem>> -> memref<128x64xf32, #tpu.memory_space<vmem>>
          tpu.wait_dma2 semaphore(%arg17 : memref<!tpu.dma_semaphore, #tpu.memory_space<semaphore_mem>>) src(%dma_wait3A_411 : memref<128x64xf32, #tpu.memory_space<vmem>>) dst(%dma_wait3A_407 : memref<128x64xf32, #tpu.memory_space<hbm>>)
        } else {
        }
        %dma_wait3A_368 = arith.constant 0 : i32
        %dma_wait3A_369 = arith.constant 0 : i32
        %dma_wait3A_370 = arith.constant 0 : i32
        %dma_wait3A_371 = tpu.memref_slice %arg7[%dma_wait3A_369, %dma_wait3A_370] : memref<4x128xi32, #tpu.memory_space<vmem>> -> memref<1x128xi32, #tpu.memory_space<vmem>>
        %dma_wait3A_372 = tpu.memref_squeeze %dma_wait3A_371 : memref<1x128xi32, #tpu.memory_space<vmem>> -> memref<128xi32, #tpu.memory_space<vmem>>
        %dma_wait3A_373 = arith.constant 0 : i32
        %dma_wait3A_374 = tpu.memref_slice %arg2[%dma_wait3A_368, %dma_wait3A_373] : memref<200x4096xi32, #tpu.memory_space<hbm>> -> memref<1x128xi32, #tpu.memory_space<hbm>>
        %dma_wait3A_375 = tpu.memref_squeeze %dma_wait3A_374 : memref<1x128xi32, #tpu.memory_space<hbm>> -> memref<128xi32, #tpu.memory_space<hbm>>
        %dma_wait3A_376 = arith.constant 0 : i32
        %dma_wait3A_377 = tpu.memref_slice %arg7[%dma_wait3A_369, %dma_wait3A_376] : memref<4x128xi32, #tpu.memory_space<vmem>> -> memref<1x128xi32, #tpu.memory_space<vmem>>
        %dma_wait3A_378 = tpu.memref_squeeze %dma_wait3A_377 : memref<1x128xi32, #tpu.memory_space<vmem>> -> memref<128xi32, #tpu.memory_space<vmem>>
        %dma_wait3A_379 = arith.constant 0 : i32
        %dma_wait3A_380 = tpu.memref_slice %arg2[%dma_wait3A_368, %dma_wait3A_379] : memref<200x4096xi32, #tpu.memory_space<hbm>> -> memref<1x128xi32, #tpu.memory_space<hbm>>
        %dma_wait3A_381 = tpu.memref_squeeze %dma_wait3A_380 : memref<1x128xi32, #tpu.memory_space<hbm>> -> memref<128xi32, #tpu.memory_space<hbm>>
        tpu.wait_dma2 semaphore(%arg9 : memref<!tpu.dma_semaphore, #tpu.memory_space<semaphore_mem>>) src(%dma_wait3A_381 : memref<128xi32, #tpu.memory_space<hbm>>) dst(%dma_wait3A_378 : memref<128xi32, #tpu.memory_space<vmem>>)
        %dma_start3A_382 = arith.constant 0 : i32
        %dma_start3A_383 = arith.constant 0 : i32
        %dma_start3A_384 = arith.constant 0 : i32
        %dma_start3A_385 = arith.constant 0 : i32
        %dma_start3A_386 = tpu.memref_slice %arg8[%dma_start3A_383, %dma_start3A_384, %dma_start3A_385] : memref<4x128x64xf32, #tpu.memory_space<vmem>> -> memref<1x128x64xf32, #tpu.memory_space<vmem>>
        %dma_start3A_387 = tpu.memref_squeeze %dma_start3A_386 : memref<1x128x64xf32, #tpu.memory_space<vmem>> -> memref<128x64xf32, #tpu.memory_space<vmem>>
        %dma_start3A_388 = arith.constant 0 : i32
        %dma_start3A_389 = tpu.memref_slice %arg7[%dma_start3A_382, %dma_start3A_388] : memref<4x128xi32, #tpu.memory_space<vmem>> -> memref<1x128xi32, #tpu.memory_space<vmem>>
        %dma_start3A_390 = tpu.memref_squeeze %dma_start3A_389 : memref<1x128xi32, #tpu.memory_space<vmem>> -> memref<128xi32, #tpu.memory_space<vmem>>
        %dma_start3A_391 = arith.constant 0 : i32
        %dma_start3A_392 = arith.constant 0 : i32
        %dma_start3A_393 = tpu.memref_slice %arg4[%dma_start3A_391, %dma_start3A_392] : memref<1000000x64xf32, #tpu.memory_space<hbm>> -> memref<1000000x64xf32, #tpu.memory_space<hbm>>
        tpu.enqueue_indirect_dma source(%dma_start3A_393 : memref<1000000x64xf32, #tpu.memory_space<hbm>>) target(%dma_start3A_387 : memref<128x64xf32, #tpu.memory_space<vmem>>) offsets(%dma_start3A_390 : memref<128xi32, #tpu.memory_space<vmem>>) semaphore(%arg13 : memref<!tpu.dma_semaphore, #tpu.memory_space<semaphore_mem>>)
      } else {
      }
      %dma_wait3A_317 = arith.constant 3 : i32
      %dma_wait3A_318 = arith.constant 0 : i32
      %dma_wait3A_319 = arith.constant 0 : i32
      %dma_wait3A_320 = tpu.memref_slice %arg8[%dma_wait3A_317, %dma_wait3A_318, %dma_wait3A_319] : memref<4x128x64xf32, #tpu.memory_space<vmem>> -> memref<1x128x64xf32, #tpu.memory_space<vmem>>
      %dma_wait3A_321 = tpu.memref_squeeze %dma_wait3A_320 : memref<1x128x64xf32, #tpu.memory_space<vmem>> -> memref<128x64xf32, #tpu.memory_space<vmem>>
      %dma_wait3A_322 = arith.constant 0 : i32
      %dma_wait3A_323 = arith.constant 0 : i32
      %dma_wait3A_324 = tpu.memref_slice %arg4[%dma_wait3A_322, %dma_wait3A_323] : memref<1000000x64xf32, #tpu.memory_space<hbm>> -> memref<128x64xf32, #tpu.memory_space<hbm>>
      %dma_wait3A_325 = arith.constant 0 : i32
      %dma_wait3A_326 = arith.constant 0 : i32
      %dma_wait3A_327 = tpu.memref_slice %arg8[%dma_wait3A_317, %dma_wait3A_325, %dma_wait3A_326] : memref<4x128x64xf32, #tpu.memory_space<vmem>> -> memref<1x128x64xf32, #tpu.memory_space<vmem>>
      %dma_wait3A_328 = tpu.memref_squeeze %dma_wait3A_327 : memref<1x128x64xf32, #tpu.memory_space<vmem>> -> memref<128x64xf32, #tpu.memory_space<vmem>>
      %dma_wait3A_329 = arith.constant 0 : i32
      %dma_wait3A_330 = arith.constant 0 : i32
      %dma_wait3A_331 = tpu.memref_slice %arg4[%dma_wait3A_329, %dma_wait3A_330] : memref<1000000x64xf32, #tpu.memory_space<hbm>> -> memref<128x64xf32, #tpu.memory_space<hbm>>
      tpu.wait_dma2 semaphore(%arg16 : memref<!tpu.dma_semaphore, #tpu.memory_space<semaphore_mem>>) src(%dma_wait3A_331 : memref<128x64xf32, #tpu.memory_space<hbm>>) dst(%dma_wait3A_328 : memref<128x64xf32, #tpu.memory_space<vmem>>)
      %get3A_332 = arith.index_cast %add3A_306 : i32 to index
      %get3A_333 = arith.constant 0 : index
      %get3A_334 = tpu.vector_load %arg6[%get3A_332, %get3A_333] {strides = array<i32>} : memref<200x64xf32, #tpu.memory_space<vmem>>, vector<16xf32>,
      %get3A_335 = arith.index_cast %add3A_306 : i32 to index
      %get3A_336 = arith.constant 16 : index
      %get3A_337 = tpu.vector_load %arg6[%get3A_335, %get3A_336] {strides = array<i32>} : memref<200x64xf32, #tpu.memory_space<vmem>>, vector<16xf32>,
      %get3A_338 = arith.index_cast %add3A_306 : i32 to index
      %get3A_339 = arith.constant 32 : index
      %get3A_340 = tpu.vector_load %arg6[%get3A_338, %get3A_339] {strides = array<i32>} : memref<200x64xf32, #tpu.memory_space<vmem>>, vector<16xf32>,
      %get3A_341 = arith.index_cast %add3A_306 : i32 to index
      %get3A_342 = arith.constant 48 : index
      %get3A_343 = tpu.vector_load %arg6[%get3A_341, %get3A_342] {strides = array<i32>} : memref<200x64xf32, #tpu.memory_space<vmem>>, vector<16xf32>,
      %scan3A_344 = arith.constant 0 : i32
      %scan3A_345 = arith.constant 128 : i32
      %scan3A_346 = arith.addi %scan3A_344, %scan3A_345 : i32
      %scan3A_347 = arith.constant 1 : i32
      scf.for %scan3A_364 = %scan3A_344 to %scan3A_346 step %scan3A_347  : i32 {
        %mul3A_365 = arith.constant 1 : i32
        %mul3A_366 = arith.muli %scan3A_364, %mul3A_365 : i32
        %add3A_367 = arith.constant 0 : i32
        %add3A_368 = arith.addi %add3A_367, %mul3A_366 : i32
        %get3A_369 = arith.constant 3 : i32
        %get3A_370 = arith.index_cast %get3A_369 : i32 to index
        %get3A_371 = arith.index_cast %add3A_368 : i32 to index
        %get3A_372 = arith.constant 0 : index
        %get3A_373 = tpu.vector_load %arg8[%get3A_370, %get3A_371, %get3A_372] {strides = array<i32>} : memref<4x128x64xf32, #tpu.memory_space<vmem>>, vector<16xf32>,
        %add3A_374 = arith.addf %get3A_373, %get3A_334 : vector<16xf32>
        %swap3A = arith.constant 3 : i32
        %swap3A_375 = arith.index_cast %swap3A : i32 to index
        %swap3A_376 = arith.index_cast %add3A_368 : i32 to index
        %swap3A_377 = arith.constant 0 : index
        %swap3A_378 = tpu.vector_load %arg8[%swap3A_375, %swap3A_376, %swap3A_377] {strides = array<i32>} : memref<4x128x64xf32, #tpu.memory_space<vmem>>, vector<16xf32>,
        tpu.vector_store %arg8[%swap3A_375, %swap3A_376, %swap3A_377], %add3A_374 {strides = array<i32>} : memref<4x128x64xf32, #tpu.memory_space<vmem>>, vector<16xf32>,
        %get3A_379 = arith.constant 3 : i32
        %get3A_380 = arith.index_cast %get3A_379 : i32 to index
        %get3A_381 = arith.index_cast %add3A_368 : i32 to index
        %get3A_382 = arith.constant 16 : index
        %get3A_383 = tpu.vector_load %arg8[%get3A_380, %get3A_381, %get3A_382] {strides = array<i32>} : memref<4x128x64xf32, #tpu.memory_space<vmem>>, vector<16xf32>,
        %add3A_384 = arith.addf %get3A_383, %get3A_337 : vector<16xf32>
        %swap3A_385 = arith.constant 3 : i32
        %swap3A_386 = arith.index_cast %swap3A_385 : i32 to index
        %swap3A_387 = arith.index_cast %add3A_368 : i32 to index
        %swap3A_388 = arith.constant 16 : index
        %swap3A_389 = tpu.vector_load %arg8[%swap3A_386, %swap3A_387, %swap3A_388] {strides = array<i32>} : memref<4x128x64xf32, #tpu.memory_space<vmem>>, vector<16xf32>,
        tpu.vector_store %arg8[%swap3A_386, %swap3A_387, %swap3A_388], %add3A_384 {strides = array<i32>} : memref<4x128x64xf32, #tpu.memory_space<vmem>>, vector<16xf32>,
        %get3A_390 = arith.constant 3 : i32
        %get3A_391 = arith.index_cast %get3A_390 : i32 to index
        %get3A_392 = arith.index_cast %add3A_368 : i32 to index
        %get3A_393 = arith.constant 32 : index
        %get3A_394 = tpu.vector_load %arg8[%get3A_391, %get3A_392, %get3A_393] {strides = array<i32>} : memref<4x128x64xf32, #tpu.memory_space<vmem>>, vector<16xf32>,
        %add3A_395 = arith.addf %get3A_394, %get3A_340 : vector<16xf32>
        %swap3A_396 = arith.constant 3 : i32
        %swap3A_397 = arith.index_cast %swap3A_396 : i32 to index
        %swap3A_398 = arith.index_cast %add3A_368 : i32 to index
        %swap3A_399 = arith.constant 32 : index
        %swap3A_400 = tpu.vector_load %arg8[%swap3A_397, %swap3A_398, %swap3A_399] {strides = array<i32>} : memref<4x128x64xf32, #tpu.memory_space<vmem>>, vector<16xf32>,
        tpu.vector_store %arg8[%swap3A_397, %swap3A_398, %swap3A_399], %add3A_395 {strides = array<i32>} : memref<4x128x64xf32, #tpu.memory_space<vmem>>, vector<16xf32>,
        %get3A_401 = arith.constant 3 : i32
        %get3A_402 = arith.index_cast %get3A_401 : i32 to index
        %get3A_403 = arith.index_cast %add3A_368 : i32 to index
        %get3A_404 = arith.constant 48 : index
        %get3A_405 = tpu.vector_load %arg8[%get3A_402, %get3A_403, %get3A_404] {strides = array<i32>} : memref<4x128x64xf32, #tpu.memory_space<vmem>>, vector<16xf32>,
        %add3A_406 = arith.addf %get3A_405, %get3A_343 : vector<16xf32>
        %swap3A_407 = arith.constant 3 : i32
        %swap3A_408 = arith.index_cast %swap3A_407 : i32 to index
        %swap3A_409 = arith.index_cast %add3A_368 : i32 to index
        %swap3A_410 = arith.constant 48 : index
        %swap3A_411 = tpu.vector_load %arg8[%swap3A_408, %swap3A_409, %swap3A_410] {strides = array<i32>} : memref<4x128x64xf32, #tpu.memory_space<vmem>>, vector<16xf32>,
        tpu.vector_store %arg8[%swap3A_408, %swap3A_409, %swap3A_410], %add3A_406 {strides = array<i32>} : memref<4x128x64xf32, #tpu.memory_space<vmem>>, vector<16xf32>,
      }
      %scan3A_348 = arith.constant 128 : i32
      %dma_start3A_349 = arith.constant 3 : i32
      %dma_start3A_350 = arith.constant 0 : i32
      %dma_start3A_351 = arith.constant 0 : i32
      %dma_start3A_352 = tpu.memref_slice %arg8[%dma_start3A_349, %dma_start3A_350, %dma_start3A_351] : memref<4x128x64xf32, #tpu.memory_space<vmem>> -> memref<1x128x64xf32, #tpu.memory_space<vmem>>
      %dma_start3A_353 = tpu.memref_squeeze %dma_start3A_352 : memref<1x128x64xf32, #tpu.memory_space<vmem>> -> memref<128x64xf32, #tpu.memory_space<vmem>>
      %dma_start3A_354 = arith.constant 0 : i32
      %dma_start3A_355 = tpu.memref_slice %arg5[%mul3A_2, %add3A_306, %dma_start3A_354] : memref<4096x200x64xf32, #tpu.memory_space<hbm>> -> memref<128x1x64xf32, #tpu.memory_space<hbm>>
      %dma_start3A_356 = tpu.memref_squeeze %dma_start3A_355 : memref<128x1x64xf32, #tpu.memory_space<hbm>> -> memref<128x64xf32, #tpu.memory_space<hbm>>
      %dma_start3A_357 = arith.constant 0 : i32
      %dma_start3A_358 = tpu.memref_slice %arg5[%mul3A_2, %add3A_306, %dma_start3A_357] : memref<4096x200x64xf32, #tpu.memory_space<hbm>> -> memref<128x1x64xf32, #tpu.memory_space<hbm>>
      %dma_start3A_359 = tpu.memref_squeeze %dma_start3A_358 : memref<128x1x64xf32, #tpu.memory_space<hbm>> -> memref<128x64xf32, #tpu.memory_space<hbm>>
      %dma_start3A_360 = arith.constant 0 : i32
      %dma_start3A_361 = arith.constant 0 : i32
      %dma_start3A_362 = tpu.memref_slice %arg8[%dma_start3A_349, %dma_start3A_360, %dma_start3A_361] : memref<4x128x64xf32, #tpu.memory_space<vmem>> -> memref<1x128x64xf32, #tpu.memory_space<vmem>>
      %dma_start3A_363 = tpu.memref_squeeze %dma_start3A_362 : memref<1x128x64xf32, #tpu.memory_space<vmem>> -> memref<128x64xf32, #tpu.memory_space<vmem>>
      tpu.enqueue_dma source(%dma_start3A_363 : memref<128x64xf32, #tpu.memory_space<vmem>>) target(%dma_start3A_359 : memref<128x64xf32, #tpu.memory_space<hbm>>) target_semaphore(%arg20 : memref<!tpu.dma_semaphore, #tpu.memory_space<semaphore_mem>>)
    }
    %scan3A_54 = arith.constant 50 : i32
    %dma_wait3A_55 = arith.constant 0 : i32
    %dma_wait3A_56 = arith.constant 0 : i32
    %dma_wait3A_57 = arith.constant 0 : i32
    %dma_wait3A_58 = arith.constant 0 : i32
    %dma_wait3A_59 = tpu.memref_slice %arg8[%dma_wait3A_55, %dma_wait3A_57, %dma_wait3A_58] : memref<4x128x64xf32, #tpu.memory_space<vmem>> -> memref<1x128x64xf32, #tpu.memory_space<vmem>>
    %dma_wait3A_60 = tpu.memref_squeeze %dma_wait3A_59 : memref<1x128x64xf32, #tpu.memory_space<vmem>> -> memref<128x64xf32, #tpu.memory_space<vmem>>
    %dma_wait3A_61 = arith.constant 0 : i32
    %dma_wait3A_62 = arith.constant 0 : i32
    %dma_wait3A_63 = tpu.memref_slice %arg5[%dma_wait3A_61, %dma_wait3A_56, %dma_wait3A_62] : memref<4096x200x64xf32, #tpu.memory_space<hbm>> -> memref<128x1x64xf32, #tpu.memory_space<hbm>>
    %dma_wait3A_64 = tpu.memref_squeeze %dma_wait3A_63 : memref<128x1x64xf32, #tpu.memory_space<hbm>> -> memref<128x64xf32, #tpu.memory_space<hbm>>
    %dma_wait3A_65 = arith.constant 0 : i32
    %dma_wait3A_66 = arith.constant 0 : i32
    %dma_wait3A_67 = tpu.memref_slice %arg5[%dma_wait3A_65, %dma_wait3A_56, %dma_wait3A_66] : memref<4096x200x64xf32, #tpu.memory_space<hbm>> -> memref<128x1x64xf32, #tpu.memory_space<hbm>>
    %dma_wait3A_68 = tpu.memref_squeeze %dma_wait3A_67 : memref<128x1x64xf32, #tpu.memory_space<hbm>> -> memref<128x64xf32, #tpu.memory_space<hbm>>
    %dma_wait3A_69 = arith.constant 0 : i32
    %dma_wait3A_70 = arith.constant 0 : i32
    %dma_wait3A_71 = tpu.memref_slice %arg8[%dma_wait3A_55, %dma_wait3A_69, %dma_wait3A_70] : memref<4x128x64xf32, #tpu.memory_space<vmem>> -> memref<1x128x64xf32, #tpu.memory_space<vmem>>
    %dma_wait3A_72 = tpu.memref_squeeze %dma_wait3A_71 : memref<1x128x64xf32, #tpu.memory_space<vmem>> -> memref<128x64xf32, #tpu.memory_space<vmem>>
    tpu.wait_dma2 semaphore(%arg17 : memref<!tpu.dma_semaphore, #tpu.memory_space<semaphore_mem>>) src(%dma_wait3A_72 : memref<128x64xf32, #tpu.memory_space<vmem>>) dst(%dma_wait3A_68 : memref<128x64xf32, #tpu.memory_space<hbm>>)
    %dma_wait3A_73 = arith.constant 1 : i32
    %dma_wait3A_74 = arith.constant 0 : i32
    %dma_wait3A_75 = arith.constant 0 : i32
    %dma_wait3A_76 = arith.constant 0 : i32
    %dma_wait3A_77 = tpu.memref_slice %arg8[%dma_wait3A_73, %dma_wait3A_75, %dma_wait3A_76] : memref<4x128x64xf32, #tpu.memory_space<vmem>> -> memref<1x128x64xf32, #tpu.memory_space<vmem>>
    %dma_wait3A_78 = tpu.memref_squeeze %dma_wait3A_77 : memref<1x128x64xf32, #tpu.memory_space<vmem>> -> memref<128x64xf32, #tpu.memory_space<vmem>>
    %dma_wait3A_79 = arith.constant 0 : i32
    %dma_wait3A_80 = arith.constant 0 : i32
    %dma_wait3A_81 = tpu.memref_slice %arg5[%dma_wait3A_79, %dma_wait3A_74, %dma_wait3A_80] : memref<4096x200x64xf32, #tpu.memory_space<hbm>> -> memref<128x1x64xf32, #tpu.memory_space<hbm>>
    %dma_wait3A_82 = tpu.memref_squeeze %dma_wait3A_81 : memref<128x1x64xf32, #tpu.memory_space<hbm>> -> memref<128x64xf32, #tpu.memory_space<hbm>>
    %dma_wait3A_83 = arith.constant 0 : i32
    %dma_wait3A_84 = arith.constant 0 : i32
    %dma_wait3A_85 = tpu.memref_slice %arg5[%dma_wait3A_83, %dma_wait3A_74, %dma_wait3A_84] : memref<4096x200x64xf32, #tpu.memory_space<hbm>> -> memref<128x1x64xf32, #tpu.memory_space<hbm>>
    %dma_wait3A_86 = tpu.memref_squeeze %dma_wait3A_85 : memref<128x1x64xf32, #tpu.memory_space<hbm>> -> memref<128x64xf32, #tpu.memory_space<hbm>>
    %dma_wait3A_87 = arith.constant 0 : i32
    %dma_wait3A_88 = arith.constant 0 : i32
    %dma_wait3A_89 = tpu.memref_slice %arg8[%dma_wait3A_73, %dma_wait3A_87, %dma_wait3A_88] : memref<4x128x64xf32, #tpu.memory_space<vmem>> -> memref<1x128x64xf32, #tpu.memory_space<vmem>>
    %dma_wait3A_90 = tpu.memref_squeeze %dma_wait3A_89 : memref<1x128x64xf32, #tpu.memory_space<vmem>> -> memref<128x64xf32, #tpu.memory_space<vmem>>
    tpu.wait_dma2 semaphore(%arg18 : memref<!tpu.dma_semaphore, #tpu.memory_space<semaphore_mem>>) src(%dma_wait3A_90 : memref<128x64xf32, #tpu.memory_space<vmem>>) dst(%dma_wait3A_86 : memref<128x64xf32, #tpu.memory_space<hbm>>)
    %dma_wait3A_91 = arith.constant 2 : i32
    %dma_wait3A_92 = arith.constant 0 : i32
    %dma_wait3A_93 = arith.constant 0 : i32
    %dma_wait3A_94 = arith.constant 0 : i32
    %dma_wait3A_95 = tpu.memref_slice %arg8[%dma_wait3A_91, %dma_wait3A_93, %dma_wait3A_94] : memref<4x128x64xf32, #tpu.memory_space<vmem>> -> memref<1x128x64xf32, #tpu.memory_space<vmem>>
    %dma_wait3A_96 = tpu.memref_squeeze %dma_wait3A_95 : memref<1x128x64xf32, #tpu.memory_space<vmem>> -> memref<128x64xf32, #tpu.memory_space<vmem>>
    %dma_wait3A_97 = arith.constant 0 : i32
    %dma_wait3A_98 = arith.constant 0 : i32
    %dma_wait3A_99 = tpu.memref_slice %arg5[%dma_wait3A_97, %dma_wait3A_92, %dma_wait3A_98] : memref<4096x200x64xf32, #tpu.memory_space<hbm>> -> memref<128x1x64xf32, #tpu.memory_space<hbm>>
    %dma_wait3A_100 = tpu.memref_squeeze %dma_wait3A_99 : memref<128x1x64xf32, #tpu.memory_space<hbm>> -> memref<128x64xf32, #tpu.memory_space<hbm>>
    %dma_wait3A_101 = arith.constant 0 : i32
    %dma_wait3A_102 = arith.constant 0 : i32
    %dma_wait3A_103 = tpu.memref_slice %arg5[%dma_wait3A_101, %dma_wait3A_92, %dma_wait3A_102] : memref<4096x200x64xf32, #tpu.memory_space<hbm>> -> memref<128x1x64xf32, #tpu.memory_space<hbm>>
    %dma_wait3A_104 = tpu.memref_squeeze %dma_wait3A_103 : memref<128x1x64xf32, #tpu.memory_space<hbm>> -> memref<128x64xf32, #tpu.memory_space<hbm>>
    %dma_wait3A_105 = arith.constant 0 : i32
    %dma_wait3A_106 = arith.constant 0 : i32
    %dma_wait3A_107 = tpu.memref_slice %arg8[%dma_wait3A_91, %dma_wait3A_105, %dma_wait3A_106] : memref<4x128x64xf32, #tpu.memory_space<vmem>> -> memref<1x128x64xf32, #tpu.memory_space<vmem>>
    %dma_wait3A_108 = tpu.memref_squeeze %dma_wait3A_107 : memref<1x128x64xf32, #tpu.memory_space<vmem>> -> memref<128x64xf32, #tpu.memory_space<vmem>>
    tpu.wait_dma2 semaphore(%arg19 : memref<!tpu.dma_semaphore, #tpu.memory_space<semaphore_mem>>) src(%dma_wait3A_108 : memref<128x64xf32, #tpu.memory_space<vmem>>) dst(%dma_wait3A_104 : memref<128x64xf32, #tpu.memory_space<hbm>>)
    %dma_wait3A_109 = arith.constant 3 : i32
    %dma_wait3A_110 = arith.constant 0 : i32
    %dma_wait3A_111 = arith.constant 0 : i32
    %dma_wait3A_112 = arith.constant 0 : i32
    %dma_wait3A_113 = tpu.memref_slice %arg8[%dma_wait3A_109, %dma_wait3A_111, %dma_wait3A_112] : memref<4x128x64xf32, #tpu.memory_space<vmem>> -> memref<1x128x64xf32, #tpu.memory_space<vmem>>
    %dma_wait3A_114 = tpu.memref_squeeze %dma_wait3A_113 : memref<1x128x64xf32, #tpu.memory_space<vmem>> -> memref<128x64xf32, #tpu.memory_space<vmem>>
    %dma_wait3A_115 = arith.constant 0 : i32
    %dma_wait3A_116 = arith.constant 0 : i32
    %dma_wait3A_117 = tpu.memref_slice %arg5[%dma_wait3A_115, %dma_wait3A_110, %dma_wait3A_116] : memref<4096x200x64xf32, #tpu.memory_space<hbm>> -> memref<128x1x64xf32, #tpu.memory_space<hbm>>
    %dma_wait3A_118 = tpu.memref_squeeze %dma_wait3A_117 : memref<128x1x64xf32, #tpu.memory_space<hbm>> -> memref<128x64xf32, #tpu.memory_space<hbm>>
    %dma_wait3A_119 = arith.constant 0 : i32
    %dma_wait3A_120 = arith.constant 0 : i32
    %dma_wait3A_121 = tpu.memref_slice %arg5[%dma_wait3A_119, %dma_wait3A_110, %dma_wait3A_120] : memref<4096x200x64xf32, #tpu.memory_space<hbm>> -> memref<128x1x64xf32, #tpu.memory_space<hbm>>
    %dma_wait3A_122 = tpu.memref_squeeze %dma_wait3A_121 : memref<128x1x64xf32, #tpu.memory_space<hbm>> -> memref<128x64xf32, #tpu.memory_space<hbm>>
    %dma_wait3A_123 = arith.constant 0 : i32
    %dma_wait3A_124 = arith.constant 0 : i32
    %dma_wait3A_125 = tpu.memref_slice %arg8[%dma_wait3A_109, %dma_wait3A_123, %dma_wait3A_124] : memref<4x128x64xf32, #tpu.memory_space<vmem>> -> memref<1x128x64xf32, #tpu.memory_space<vmem>>
    %dma_wait3A_126 = tpu.memref_squeeze %dma_wait3A_125 : memref<1x128x64xf32, #tpu.memory_space<vmem>> -> memref<128x64xf32, #tpu.memory_space<vmem>>
    tpu.wait_dma2 semaphore(%arg20 : memref<!tpu.dma_semaphore, #tpu.memory_space<semaphore_mem>>) src(%dma_wait3A_126 : memref<128x64xf32, #tpu.memory_space<vmem>>) dst(%dma_wait3A_122 : memref<128x64xf32, #tpu.memory_space<hbm>>)
    return
  }
}

</mosaic_0001>

<sc_bundles>
// kernel: kernel.3.cloned.1.call-start
scs
__scs_entry_jumppad:
0x0: {  	(pc) =	sbr.rel $0x88, $3  }
0x1: {  	(tag) =	ssettag $0x0;
	lr =	simm.s32 $0x1  }
0x2: {  	[smem:$0x3F9F] =	sst lr;
	_ =	strace $0xD0000000  }
0x3: {  	_ = 	snop  }
0x4: {  	_ = 	snop  }
0x5: {  	_ = 	snop  }
0x6: {  	_ = 	snop  }
0x7: {  	_ = 	snop  }
__scs_overlays_trampoline_lowered:
0x8: {  	[smem:$0x3FAE] =	sst s0  }
0x9: {  	[smem:$0x3FAF] =	sst s1  }
0xa: {  	[smem:$0x3FB0] =	sst s2  }
0xb: {  	[smem:$0x3FB1] =	sst s3  }
0xc: {  	[smem:$0x3FB2] =	sst s4  }
0xd: {  	[smem:$0x3FB3] =	sst s5  }
0xe: {  	[smem:$0x3FB4] =	sst s6  }
0xf: {  	[smem:$0x3FB5] =	sst s7  }
0x10: {  	[smem:$0x3FB6] =	sst s8  }
0x11: {  	[smem:$0x3FB7] =	sst s9;
	s0 =	simm.s32 @!p0 $0x0  }
0x12: {  	s1 =	sld [smem:$0x3F9D];
	s0 =	simm.s32 @p0 $0x1  }
0x13: {  	[smem:$0x3FB8] =	sst s0;
	s0 =	simm.s32 @!p1 $0x0  }
0x14: {  	s2 =	sld [smem:$0x3F9C];
	s0 =	simm.s32 @p1 $0x1  }
0x15: {  	[smem:$0x3FB9] =	sst s0;
	s0 =	simm.s32 @!p2 $0x0  }
0x16: {  	s3 =	sld [smem:$0x3FDB];
	s0 =	simm.s32 @p2 $0x1  }
0x17: {  	s4 =	simm.s32 $0x1BF5;
	[smem:$0x3FBB] =	sst s0  }
0x18: {  	s0 =	sld [smem:$0x3F9E];
	_ =	swait.ge [sflag:s4], $0x0  }
0x19: {  	s7 =	sld [smem:$0x3F9F]  }
0x1a: {  	s8 =	sadd.s32 $0xFFFFE003, lr  }
0x1b: {  	s9 =	sadd.s32 $0xFFFFFEF7, lr;
	s5 =	simm.s32 $0xFFFFFFFF;
	p2 =	slt.u32 s8, $0xFFFFF086  }
0x1c: {  	p1 =	slt.u32 s9, $0xF7A;
	s5 =	simm.s32 @!p2 $0x0  }
0x1d: {  	s5 =	simm.s32 @p1 $0x1;
	p0 =	seq.s32 s7, s2  }
0x1e: {  	s7 =	smul.u32 @!p0 $0xF7A, s2;
	p2 =	seq.s32 @!p0 s5, $0x0  }
0x1f: {  	s9 =	smul.u32 $0xF7A, s1;
	s8 =	simm.s32 @!p0 $0x1BF5;
	p2 =	por !p2, p0  }
0x20: {  	[sflag:s8] =	ssyncset.s32 @!p0 $0xFFFFF086;
	s6 =	sadd.s32 @!p0 s3, s7;
	s7 =	simm.s32 @!p0 $0x108  }
0x21: {  	s3 =	sadd.s32 s3, s9;
	s6 =	sadd.s32 @!p0 $0x88, s6;
	s7 =	simm.s32 @p2 $0x1082  }
0x22: {  	[simem:s7], [sflag:s8] =	dma.local @!p0 [hbm:s6], $0xF7A  }
0x23: {  	s9 =	sor.u32 $0xD0000000, s2;
	s6 =	simm.s32 $0x108;
	_ =	swait.ge @!p0 [sflag:s8], $0x0  }
0x24: {  	s3 =	sadd.s32 $0x88, s3;
	s6 =	simm.s32 @!p1 $0x1082;
	[sflag:s4] =	ssyncset.s32 $0xFFFFF086  }
0x25: {  	[simem:s6], [sflag:s4] =	dma.local [hbm:s3], $0xF7A  }
0x26: {  	[smem:$0x3F9F] =	sst s1;
	(tag) =	ssettag s2;
	_ =	strace s9  }
0x27: {  	s1 =	sld [smem:$0x3FAF]  }
0x28: {  	s2 =	sld [smem:$0x3FB0]  }
0x29: {  	s4 =	sld [smem:$0x3FB2]  }
0x2a: {  	p0 =	seq.s32 s5, $0x0;
	s5 =	sld [smem:$0x3FB3]  }
0x2b: {  	s6 =	sld [smem:$0x3FB4]  }
0x2c: {  	s7 =	sld [smem:$0x3FB5]  }
0x2d: {  	s3 =	simm.s32 $0x108;
	s8 =	sld [smem:$0x3FB6]  }
0x2e: {  	s3 =	simm.s32 @!p0 $0x1082;
	s9 =	sld [smem:$0x3FB7]  }
0x2f: {  	lr =	sadd.s32 s0, s3;
	s0 =	sld [smem:$0x3FAE]  }
0x30: {  	s3 =	sld [smem:$0x3FB1]  }
0x31: {  	[smem:$0x3FBA] =	sst s10  }
0x32: {  	s10 =	sld [smem:$0x3FB8];
	_ =	sdelay $0x3  }
0x33: {  	p0 =	seq.s32 s10, $0x1;
	s10 =	sld [smem:$0x3FBA];
	_ =	sdelay $0x3  }
0x34: {  	[smem:$0x3FBA] =	sst s10  }
0x35: {  	s10 =	sld [smem:$0x3FB9];
	_ =	sdelay $0x3  }
0x36: {  	p1 =	seq.s32 s10, $0x1;
	s10 =	sld [smem:$0x3FBA];
	_ =	sdelay $0x3  }
0x37: {  	[smem:$0x3FBA] =	sst s10  }
0x38: {  	s10 =	sld [smem:$0x3FBB]  }
0x39: {  	_ = 	snop;
	(pc) =	sbr.ind lr, $3  }
0x3a: {  	_ = 	snop  }
0x3b: {  	_ = 	snop  }
0x3c: {  	p2 =	seq.s32 s10, $0x1;
	s10 =	sld [smem:$0x3FBA]  }
0x3d: {  	_ =	shalt  }
0x3e: {  	_ =	shalt  }
0x3f: {  	_ =	shalt  }
0x40: {  	_ =	shalt  }
0x41: {  	_ =	shalt  }
0x42: {  	_ =	shalt  }
0x43: {  	_ =	shalt  }
0x44: {  	_ =	shalt  }
0x45: {  	_ =	shalt  }
0x46: {  	_ =	shalt  }
0x47: {  	_ =	shalt  }
0x48: {  	_ =	shalt  }
0x49: {  	_ =	shalt  }
0x4a: {  	_ =	shalt  }
0x4b: {  	_ =	shalt  }
0x4c: {  	_ =	shalt  }
0x4d: {  	_ =	shalt  }
0x4e: {  	_ =	shalt  }
0x4f: {  	_ =	shalt  }
0x50: {  	_ =	shalt  }
0x51: {  	_ =	shalt  }
0x52: {  	_ =	shalt  }
0x53: {  	_ =	shalt  }
0x54: {  	_ =	shalt  }
0x55: {  	_ =	shalt  }
0x56: {  	_ =	shalt  }
0x57: {  	_ =	shalt  }
0x58: {  	_ =	shalt  }
0x59: {  	_ =	shalt  }
0x5a: {  	_ =	shalt  }
0x5b: {  	_ =	shalt  }
0x5c: {  	_ =	shalt  }
0x5d: {  	_ =	shalt  }
0x5e: {  	_ =	shalt  }
0x5f: {  	_ =	shalt  }
0x60: {  	_ =	shalt  }
0x61: {  	_ =	shalt  }
0x62: {  	_ =	shalt  }
0x63: {  	_ =	shalt  }
0x64: {  	_ =	shalt  }
0x65: {  	_ =	shalt  }
0x66: {  	_ =	shalt  }
0x67: {  	_ =	shalt  }
0x68: {  	_ =	shalt  }
0x69: {  	_ =	shalt  }
0x6a: {  	_ =	shalt  }
0x6b: {  	_ =	shalt  }
0x6c: {  	_ =	shalt  }
0x6d: {  	_ =	shalt  }
0x6e: {  	_ =	shalt  }
0x6f: {  	_ =	shalt  }
0x70: {  	_ =	shalt  }
0x71: {  	_ =	shalt  }
0x72: {  	_ =	shalt  }
0x73: {  	_ =	shalt  }
0x74: {  	_ =	shalt  }
0x75: {  	_ =	shalt  }
0x76: {  	_ =	shalt  }
0x77: {  	_ =	shalt  }
0x78: {  	_ =	shalt  }
0x79: {  	_ =	shalt  }
0x7a: {  	_ =	shalt  }
0x7b: {  	_ =	shalt  }
0x7c: {  	_ =	shalt  }
0x7d: {  	_ =	shalt  }
0x7e: {  	_ =	shalt  }
0x7f: {  	_ =	shalt  }
0x80: {  	_ =	shalt  }
0x81: {  	_ =	shalt  }
0x82: {  	_ =	shalt  }
0x83: {  	_ =	shalt  }
0x84: {  	_ =	shalt  }
0x85: {  	_ =	shalt  }
0x86: {  	_ =	shalt  }
0x87: {  	_ =	shalt  }
.Lfunc_end0:
.L_simem_size_0:
called_computation.1_lowered:
.L_overlay_start_0:
0x88: {  	s2 =	sld [smem:$0x3FD9]  }
0x89: {  	s3 =	sld [smem:$0x3FFE];
	_ =	sdelay $0x1  }
0x8a: {  	s1 =	srdreg.scid  }
0x8b: {  	s0 =	sand.u32 $0x1, s1  }
0x8c: {  	s17 =	sshll.u32 s0, $0xA;
	s2 =	sadd.s32 s3, s2  }
0x8d: {  	s2 =	sadd.s32 s2, s17  }
0x8e: {  	[smem:$0x3FC6] =	sst s2  }
0x8f: {  	_ = 	snop  }
0x90: {  	s2 =	sld [smem:$0x3FD0];
	(tm) =	ssettm $0x1  }
0x91: {  	s18 =	sld [smem:$0x3FFB];
	_ =	sdelay $0x3  }
0x92: {  	_ =	strace s18  }
0x93: {  	s3 =	sld [smem:$0x3FFC];
	_ =	sdelay $0x3  }
0x94: {  	_ =	strace s3  }
0x95: {  	s3 =	sld [smem:$0x3FFD];
	_ =	sdelay $0x3  }
0x96: {  	_ =	strace s3  }
0x97: {  	_ =	strace $0x8FFFFFFF  }
0x98: {  	s19 =	sld [smem:$0x3FDB];
	_ =	sdelay $0x1  }
0x99: {  	s4 =	simm.s32 $_scs_section_size  }
0x9a: {  	s5 =	simm.s32 $_size__tile_overlayer_lowered;
	s6 =	simm.s32 $_tile_overlayer_lowered  }
0x9b: {  	s22 =	simm.s32 $0x1BFF;
	s21 =	sshll.u32 s6, $0x1;
	s3 =	sadd.s32 s4, s19  }
0x9c: {  	s7 =	simm.s32 $0x0;
	s20 =	sshll.u32 s5, $0x1;
	s5 =	sadd.s32 s21, s3  }
0x9d: {  	[timem:s7], [sflag:s22] =	dma.local [hbm:s5], s20  }
0x9e: {  	_ =	swait.ge [sflag:s22], s20  }
0x9f: {  	s4 =	ssub.s32 $0x0, s20;
	[sflag:s22] =	ssyncset.done $0x0  }
0xa0: {  	[sflag:s22] =	ssyncadd.s32 s4;
	_ =	sdelay $0x1  }
0xa1: {  	s23 =	simm.s32 $0x1B8B  }
0xa2: {  	_ =	swait.ge [sflag:s23], $0x1  }
0xa3: {  	[sflag:s23] =	ssyncset.done $0x0  }
0xa4: {  	s25 =	simm.s32 $0x1B8E;
	s24 =	sld [smem:$0x3FFE];
	[sflag:s23] =	ssyncadd.s32 $0xFFFFFFFF  }
0xa5: {  	s26 =	simm.s32 $execute0_lowered;
	[smem:$0x3FD2] =	sst s25  }
0xa6: {  	s5 =	sshll.u32 s26, $0x1;
	_ =	strace $0x80000046;
	[dreg:$0x1] =	wrdreg $0xFFFFFFFF  }
0xa7: {  	s28 =	simm.s32 $_size_execute0_lowered;
	s3 =	sadd.s32 s3, s5;
	[dreg:$0x0] =	wrdreg $0x0  }
0xa8: {  	s5 =	sshll.u32 s28, $0x1;
	[dreg:$0x2] =	wrdreg s3  }
0xa9: {  	[dreg:$0x3] =	wrdreg s5  }
0xaa: {  	[dreg:$0x4] =	wrdreg $0xC0  }
0xab: {  	_ =	task [dreg:s7], $0x5FFFF  }
0xac: {  	[dreg:$0x1] =	wrdreg $0xFFFFFFFF  }
0xad: {  	[dreg:$0x0] =	wrdreg $0x60  }
0xae: {  	[dreg:$0x2] =	wrdreg s24  }
0xaf: {  	[dreg:$0x3] =	wrdreg s2  }
0xb0: {  	[dreg:$0x4] =	wrdreg $0x9  }
0xb1: {  	_ =	task.clear_ibuf [dreg:s7], $0x5FFFF;
	_ =	strace $0x90000046  }
0xb2: {  	s29 =	simm.s32 $0x9;
	_ =	strace $0x80000048  }
0xb3: {  	_ =	swait.ge [sflag:s29], $0x1  }
0xb4: {  	[sflag:s29] =	ssyncadd.s32 $0xFFFFFFFF  }
0xb5: {  	_ =	strace $0x90000048  }
0xb6: {  	_ =	sfence  }
0xb7: {  	s30 =	sld [smem:$0x0];
	_ =	sdelay $0x2  }
0xb8: {  	s31 =	sshll.u32 s1, $0xD;
	s1 =	sshrl.u32 s1, $0x2  }
0xb9: {  	s3 =	sand.u32 $0x4000, s31;
	s1 =	sadd.s32 s1, s30  }
0xba: {  	s0 =	sor.u32 s3, s0;
	s1 =	sshll.u32 s1, $0x11  }
0xbb: {  	s0 =	sor.u32 s1, s0  }
0xbc: {  	s0 =	sadd.s32 $0x8F2B, s0  }
0xbd: {  	[sflag:s0] =	ssyncadd.remote.s32 $0x1  }
0xbe: {  	_ =	sfence.sel $0xFFFF  }
0xbf: {  	[dreg:$0x0] =	wrdreg $0xFFFFFFFF;
	(pc) =	sbr.abs _section_cstart, $3  }
0xc0: {  	[dreg:$0x1] =	wrdreg $0xFFFFFFFF  }
0xc1: {  	_ =	task.clear_ibuf [dreg:s7], $0x2FFFF;
	_ =	strace $0x9FFFFFFF  }
0xc2: {  	(tm) =	ssettm $0x7FFFFFFF  }
0xc3: {  	_ =	shalt  }
tec
execute0_lowered:
.L_overlay_start_1:
0x0: {  	(tag) =	ssettag $0x1  }
0x1: {  	s0 =	rddreg [dreg:$0x0]  }
0x2: {  	s2 =	rddreg [dreg:$0x1];
	s1 =	srdreg.scid  }
0x3: {  	s21 =	simm.s32 $0x0;
	s4 =	stileid.u32;
	s17 =	simm.s32 $0x3200  }
0x4: {  	s20 =	simm.s32 $0x80;
	s22 =	simm.s32 $0x3300;
	s23 =	simm.s32 $0x2  }
0x5: {  	s28 =	simm.s32 $0x3380;
	s29 =	simm.s32 $0x3;
	s30 =	simm.s32 $0x7400  }
0x6: {  	s31 =	simm.s32 $0x6;
	s9 =	simm.s32 $0x8;
	s10 =	simm.s32 $0x0  }
0x7: {  	s1 =	sand.u32 $0x1, s1;
	[smem:$0x7FF] =	sst s21;
	s4 =	sshll.u32 s4, $0x8  }
0x8: {  	s3 =	sadd.s32 $0xC00, s0;
	s8 =	sadd.s32 $0xF43800, s0;
	s25 =	sadd.s32 $0x1800, s0  }
0x9: {  	s14 =	sadd.s32 $0x1A00, s0;
	_ =	strace $0x80000047;
	[dreg:$0x3] =	wrdreg s3  }
0xa: {  	s5 =	sshll.u32 s1, $0x7;
	s1 =	ssub.s32 $0x2, s1;
	[dreg:$0x6] =	wrdreg s25  }
0xb: {  	s25 =	simm.s32 $0x5;
	s7 =	sor.u32 s5, s4;
	s5 =	sadd.s32 $0x1400, s0  }
0xc: {  	s6 =	sshrl.u32 s1, $0x1;
	s0 =	simm.s32 $0x4;
	s4 =	sshrl.u32 s7, $0x3  }
0xd: {  	s1 =	ssub.s32 s1, s6;
	s11 =	sor.u32 $0x4000, s7;
	s12 =	sor.u32 $0x5000, s7  }
0xe: {  	s13 =	smul.u32 $0x3200, s7;
	s6 =	simm.s32 $0x7;
	s24 =	sadd.s32 s5, s4  }
0xf: {  	s26 =	smax.u32 s1, $0x1;
	s1 =	simm.s32 $0x9400;
	[dreg:$0x4] =	wrdreg s24  }
0x10: {  	s3 =	sadd.s32 $0x200, s24;
	[dreg:$0x7] =	wrdreg s26;
	s24 =	simm.s32 $0x5400  }
0x11: {  	s26 =	simm.s32 $0x40;
	[dreg:$0x5] =	wrdreg s3;
	s3 =	smov.u32 s7  }
.LBB2_1:
0x12: {  	[dreg:$0x8] =	wrdreg s10  }
0x13: {  	s4 =	rddreg [dreg:$0x3];
	s10 =	simm.s32 $0xD  }
0x14: {  	[tilespmem:s21], [sflag:$0xD] =	stream.linear.gather [hbm4b:s4+s21], $0x3200, $0x38;
	[tilespmem:$0xB400] =	vst v63  }
0x15: {  	_ =	swait.ge [sflag:s10], $0x3200  }
0x16: {  	[sflag:s10] =	ssyncset.done $0x0  }
0x17: {  	s15 =	rddreg [dreg:$0x4];
	[sflag:s10] =	ssyncadd.s32 $0xFFFFCE00  }
0x18: {  	[tilespmem:s17], [sflag:$0x1] =	stream.linear.gather [hbm4b:s15+s21], $0x80, $0x38;
	[tilespmem:$0xB400] =	vst v63  }
0x19: {  	s7 =	simm.s32 $0x3280;
	s18 =	simm.s32 $0x1;
	s16 =	rddreg [dreg:$0x5]  }
0x1a: {  	[tilespmem:s7], [sflag:$0x2] =	stream.linear.gather [hbm4b:s16+s21], $0x80, $0x38;
	[tilespmem:$0xB400] =	vst v63  }
0x1b: {  	_ =	swait.ge [sflag:s18], $0x80  }
0x1c: {  	[sflag:s18] =	ssyncset.done $0x0  }
0x1d: {  	s19 =	simm.s32 $0x3400;
	s7 =	simm.s32 $0x0;
	[sflag:s18] =	ssyncadd.s32 $0xFFFFFF80  }
0x1e: {  	[tilespmem:s19], [sflag:$0x5] =	stream.indirect.gather [hbm4b:s8+s20], $0x40, s17, s20, $0xb8;
	[tilespmem:$0xB400] =	vst v63  }
.LBB2_2:
0x1f: {  	s16 =	sshll.u32 s7, $0xE  }
0x20: {  	s4 =	sor.u32 s3, s16  }
0x21: {  	s19 =	rddreg [dreg:$0x6];
	s18 =	sshrl.u32 s4, $0x3  }
0x22: {  	p0 =	seq.s32 s7, $0x0;
	s4 =	sadd.s32 s18, s19  }
0x23: {  	[tilespmem:s22], [sflag:$0x3] =	stream.linear.gather [hbm4b:s4+s21], $0x80, $0x38;
	[tilespmem:$0xB400] =	vst v63  }
0x24: {  	s4 =	simm.s32 @!p0 $0xA  }
0x25: {  	_ =	swait.ge @!p0 [sflag:s4], $0x2000  }
0x26: {  	[sflag:s4] =	ssyncset.done @!p0 $0x0  }
0x27: {  	[sflag:s4] =	ssyncadd.s32 @!p0 $0xFFFFE000  }
0x28: {  	_ =	swait.ge [sflag:s23], $0x80  }
0x29: {  	[sflag:s23] =	ssyncset.done $0x0  }
0x2a: {  	s21 =	simm.s32 $0x3280;
	[sflag:s23] =	ssyncadd.s32 $0xFFFFFF80  }
0x2b: {  	[tilespmem:s24], [sflag:$0x6] =	stream.indirect.gather [hbm4b:s8+s20], $0x40, s21, s20, $0xb8;
	[tilespmem:$0xB400] =	vst v63  }
0x2c: {  	_ =	swait.ge [sflag:s25], $0x2000  }
0x2d: {  	[sflag:s25] =	ssyncset.done $0x0  }
0x2e: {  	s15 =	sshll.u32 s7, $0x8;
	[sflag:s25] =	ssyncadd.s32 $0xFFFFE000  }
0x2f: {  	v2 =	vld [tilespmem:s15+$0x0]  }
0x30: {  	v3 =	vld [tilespmem:s15+$0x10]  }
0x31: {  	v1 =	vld [tilespmem:s15+$0x20]  }
0x32: {  	s21 =	simm.s32 $0x0;
	v0 =	vld [tilespmem:s15+$0x30]  }
0x33: {  	v4 =	vld [tilespmem:s21+$0x3400]  }
0x34: {  	v6 =	vld [tilespmem:s21+$0x3410]  }
0x35: {  	s19 =	sshll.u32 s7, $0x2;
	s4 =	simm.s32 $0x100;
	v5 =	vld [tilespmem:s21+$0x3420]  }
.LBB2_3:
0x36: {  	p1 =	sne.s32 s4, $0x7F00;
	v7 =	vld [tilespmem:s21+$0x3430];
	_ =	sdelay $0x1  }
0x37: {  	v4 =	vadd.f32 v4, v2  }
.Ltmp0:
0x38: {  	v6 =	vadd.f32 v6, v3;
	(pc) =	sbr.rel @p1 .LBB2_3-.Ltmp0, $4  }
0x39: {  	s10 =	sshra.s32 s4, $0x2;
	[tilespmem:s21+$0x3400] =	vst v4;
	v5 =	vadd.f32 v5, v1  }
0x3a: {  	v4 =	vld [tilespmem:s10+$0x3400];
	[tilespmem:s21+$0x3410] =	vst v6;
	v7 =	vadd.f32 v7, v0  }
0x3b: {  	v6 =	vld [tilespmem:s10+$0x3410];
	[tilespmem:s21+$0x3420] =	vst v5  }
0x3c: {  	s4 =	sadd.s32 $0x100, s4;
	v5 =	vld [tilespmem:s10+$0x3420];
	[tilespmem:s21+$0x3430] =	vst v7;
	s21 =	smov.u32 s10  }
0x3d: {  	v7 =	vld [tilespmem:s21+$0x3430];
	_ =	sdelay $0x1  }
0x3e: {  	v2 =	vadd.f32 v4, v2  }
0x3f: {  	v3 =	vadd.f32 v6, v3  }
0x40: {  	[tilespmem:s21+$0x3400] =	vst v2;
	v1 =	vadd.f32 v5, v1  }
0x41: {  	s4 =	sor.u32 s13, s15;
	[tilespmem:s21+$0x3410] =	vst v3;
	v0 =	vadd.f32 v7, v0  }
0x42: {  	s4 =	sshrl.u32 s4, $0x3;
	[tilespmem:s21+$0x3420] =	vst v1  }
0x43: {  	s10 =	simm.s32 $0x3400;
	s4 =	sadd.s32 s2, s4;
	[tilespmem:s21+$0x3430] =	vst v0  }
0x44: {  	[hbm4b:s4+s26] =	stream.strided.scatter [tilespmem:s10], [sflag:$0x9], $0x2000, s17, s26, $0x38;
	[tilespmem:$0xB400] =	vst v63  }
0x45: {  	s18 =	sadd.s32 s18, s14;
	s21 =	simm.s32 $0x0;
	s4 =	simm.s32 @!p0 $0xB  }
0x46: {  	[tilespmem:s28], [sflag:$0x4] =	stream.linear.gather [hbm4b:s18+s21], $0x80, $0x38;
	[tilespmem:$0xB400] =	vst v63  }
0x47: {  	_ =	swait.ge @!p0 [sflag:s4], $0x2000  }
0x48: {  	[sflag:s4] =	ssyncset.done @!p0 $0x0  }
0x49: {  	[sflag:s4] =	ssyncadd.s32 @!p0 $0xFFFFE000  }
0x4a: {  	_ =	swait.ge [sflag:s29], $0x80  }
0x4b: {  	[sflag:s29] =	ssyncset.done $0x0  }
0x4c: {  	[sflag:s29] =	ssyncadd.s32 $0xFFFFFF80  }
0x4d: {  	[tilespmem:s30], [sflag:$0x7] =	stream.indirect.gather [hbm4b:s8+s20], $0x40, s22, s20, $0xb8;
	[tilespmem:$0xB400] =	vst v63  }
0x4e: {  	_ =	swait.ge [sflag:s31], $0x2000  }
0x4f: {  	[sflag:s31] =	ssyncset.done $0x0  }
0x50: {  	s18 =	sor.u32 $0x40, s15;
	[sflag:s31] =	ssyncadd.s32 $0xFFFFE000  }
0x51: {  	v2 =	vld [tilespmem:s18+$0x0]  }
0x52: {  	v3 =	vld [tilespmem:s15+$0x50]  }
0x53: {  	v1 =	vld [tilespmem:s15+$0x60]  }
0x54: {  	v0 =	vld [tilespmem:s15+$0x70];
	s15 =	simm.s32 $0x0  }
0x55: {  	v4 =	vld [tilespmem:s15+$0x5400]  }
0x56: {  	v6 =	vld [tilespmem:s15+$0x5410]  }
0x57: {  	s4 =	simm.s32 $0x100;
	v5 =	vld [tilespmem:s15+$0x5420]  }
.LBB2_5:
0x58: {  	p1 =	sne.s32 s4, $0x7F00;
	v7 =	vld [tilespmem:s15+$0x5430];
	_ =	sdelay $0x1  }
0x59: {  	v4 =	vadd.f32 v4, v2  }
.Ltmp1:
0x5a: {  	v6 =	vadd.f32 v6, v3;
	(pc) =	sbr.rel @p1 .LBB2_5-.Ltmp1, $4  }
0x5b: {  	s10 =	sshra.s32 s4, $0x2;
	[tilespmem:s15+$0x5400] =	vst v4;
	v5 =	vadd.f32 v5, v1  }
0x5c: {  	v4 =	vld [tilespmem:s10+$0x5400];
	[tilespmem:s15+$0x5410] =	vst v6;
	v7 =	vadd.f32 v7, v0  }
0x5d: {  	v6 =	vld [tilespmem:s10+$0x5410];
	[tilespmem:s15+$0x5420] =	vst v5  }
0x5e: {  	s4 =	sadd.s32 $0x100, s4;
	v5 =	vld [tilespmem:s10+$0x5420];
	[tilespmem:s15+$0x5430] =	vst v7;
	s15 =	smov.u32 s10  }
0x5f: {  	v7 =	vld [tilespmem:s15+$0x5430];
	_ =	sdelay $0x1  }
0x60: {  	v2 =	vadd.f32 v4, v2  }
0x61: {  	v3 =	vadd.f32 v6, v3  }
0x62: {  	[tilespmem:s15+$0x5400] =	vst v2;
	v1 =	vadd.f32 v5, v1  }
0x63: {  	s4 =	sor.u32 s13, s18;
	[tilespmem:s15+$0x5410] =	vst v3;
	v0 =	vadd.f32 v7, v0  }
0x64: {  	s4 =	sshrl.u32 s4, $0x3;
	[tilespmem:s15+$0x5420] =	vst v1  }
0x65: {  	s4 =	sadd.s32 s2, s4;
	[tilespmem:s15+$0x5430] =	vst v0  }
0x66: {  	[hbm4b:s4+s26] =	stream.strided.scatter [tilespmem:s24], [sflag:$0xA], $0x2000, s17, s26, $0x38;
	[tilespmem:$0xB400] =	vst v63  }
0x67: {  	s4 =	sor.u32 $0x2, s19  }
0x68: {  	p1 =	sgt.u32 s4, $0xC5  }
0x69: {  	s10 =	sadd.s32 @!p1 s11, s16  }
0x6a: {  	s10 =	sshrl.u32 @!p1 s10, $0x3  }
0x6b: {  	s15 =	simm.s32 @!p1 $0x0;
	s18 =	simm.s32 @!p1 $0x3200;
	s10 =	sadd.s32 @!p1 s5, s10  }
0x6c: {  	[tilespmem:s18], [sflag:$0x1] =	stream.linear.gather @!p1 [hbm4b:s10+s15], $0x80, $0x38;
	[tilespmem:$0xB400] =	vst v63  }
0x6d: {  	s10 =	simm.s32 @!p0 $0xC  }
0x6e: {  	_ =	swait.ge @!p0 [sflag:s10], $0x2000  }
0x6f: {  	[sflag:s10] =	ssyncset.done @!p0 $0x0  }
0x70: {  	[sflag:s10] =	ssyncadd.s32 @!p0 $0xFFFFE000  }
0x71: {  	_ =	swait.ge [sflag:s0], $0x80  }
0x72: {  	[sflag:s0] =	ssyncset.done $0x0  }
0x73: {  	[sflag:s0] =	ssyncadd.s32 $0xFFFFFF80  }
0x74: {  	[tilespmem:s1], [sflag:$0x8] =	stream.indirect.gather [hbm4b:s8+s20], $0x40, s28, s20, $0xb8;
	[tilespmem:$0xB400] =	vst v63  }
0x75: {  	_ =	swait.ge [sflag:s6], $0x2000  }
0x76: {  	[sflag:s6] =	ssyncset.done $0x0  }
0x77: {  	s15 =	sshll.u32 s4, $0x6;
	[sflag:s6] =	ssyncadd.s32 $0xFFFFE000  }
0x78: {  	v2 =	vld [tilespmem:s15+$0x0]  }
0x79: {  	v3 =	vld [tilespmem:s15+$0x10]  }
0x7a: {  	v1 =	vld [tilespmem:s15+$0x20]  }
0x7b: {  	s18 =	simm.s32 $0x0;
	v0 =	vld [tilespmem:s15+$0x30]  }
0x7c: {  	v4 =	vld [tilespmem:s18+$0x7400]  }
0x7d: {  	v6 =	vld [tilespmem:s18+$0x7410]  }
0x7e: {  	s4 =	simm.s32 $0x100;
	v5 =	vld [tilespmem:s18+$0x7420]  }
.LBB2_7:
0x7f: {  	p0 =	sne.s32 s4, $0x7F00;
	v7 =	vld [tilespmem:s18+$0x7430];
	_ =	sdelay $0x1  }
0x80: {  	v4 =	vadd.f32 v4, v2  }
.Ltmp2:
0x81: {  	v6 =	vadd.f32 v6, v3;
	(pc) =	sbr.rel @p0 .LBB2_7-.Ltmp2, $4  }
0x82: {  	s10 =	sshra.s32 s4, $0x2;
	[tilespmem:s18+$0x7400] =	vst v4;
	v5 =	vadd.f32 v5, v1  }
0x83: {  	v4 =	vld [tilespmem:s10+$0x7400];
	[tilespmem:s18+$0x7410] =	vst v6;
	v7 =	vadd.f32 v7, v0  }
0x84: {  	v6 =	vld [tilespmem:s10+$0x7410];
	[tilespmem:s18+$0x7420] =	vst v5  }
0x85: {  	s4 =	sadd.s32 $0x100, s4;
	v5 =	vld [tilespmem:s10+$0x7420];
	[tilespmem:s18+$0x7430] =	vst v7;
	s18 =	smov.u32 s10  }
0x86: {  	v7 =	vld [tilespmem:s18+$0x7430];
	_ =	sdelay $0x1  }
0x87: {  	v2 =	vadd.f32 v4, v2  }
0x88: {  	v3 =	vadd.f32 v6, v3  }
0x89: {  	s19 =	sor.u32 $0x3, s19;
	[tilespmem:s18+$0x7400] =	vst v2;
	v1 =	vadd.f32 v5, v1  }
0x8a: {  	s4 =	sor.u32 s13, s15;
	p0 =	sgt.u32 s19, $0xC5;
	[tilespmem:s18+$0x7410] =	vst v3;
	v0 =	vadd.f32 v7, v0  }
0x8b: {  	s4 =	sshrl.u32 s4, $0x3;
	s10 =	sadd.s32 @!p0 s12, s16;
	[tilespmem:s18+$0x7420] =	vst v1  }
0x8c: {  	s4 =	sadd.s32 s2, s4;
	s10 =	sshrl.u32 @!p0 s10, $0x3;
	[tilespmem:s18+$0x7430] =	vst v0  }
0x8d: {  	[hbm4b:s4+s26] =	stream.strided.scatter [tilespmem:s30], [sflag:$0xB], $0x2000, s17, s26, $0x38;
	[tilespmem:$0xB400] =	vst v63  }
0x8e: {  	s15 =	simm.s32 @!p0 $0x0;
	s16 =	simm.s32 @!p0 $0x3280;
	s10 =	sadd.s32 @!p0 s5, s10  }
0x8f: {  	[tilespmem:s16], [sflag:$0x2] =	stream.linear.gather @!p0 [hbm4b:s10+s15], $0x80, $0x38;
	[tilespmem:$0xB400] =	vst v63  }
0x90: {  	s10 =	simm.s32 @!p0 $0x9  }
0x91: {  	_ =	swait.ge @!p0 [sflag:s10], $0x2000  }
0x92: {  	[sflag:s10] =	ssyncset.done @!p0 $0x0  }
0x93: {  	[sflag:s10] =	ssyncadd.s32 @!p0 $0xFFFFE000;
	s10 =	simm.s32 @!p0 $0x1  }
0x94: {  	_ =	swait.ge @!p0 [sflag:s10], $0x80  }
0x95: {  	s15 =	simm.s32 @!p0 $0x3200;
	[sflag:s10] =	ssyncset.done @!p0 $0x0  }
0x96: {  	s16 =	simm.s32 @!p0 $0x3400;
	[sflag:s10] =	ssyncadd.s32 @!p0 $0xFFFFFF80;
	s10 =	simm.s32 @!p0 $0x80  }
0x97: {  	[tilespmem:s16], [sflag:$0x5] =	stream.indirect.gather @!p0 [hbm4b:s8+s10], $0x40, s15, s10, $0xb8;
	[tilespmem:$0xB400] =	vst v63  }
0x98: {  	_ =	swait.ge [sflag:s9], $0x2000  }
0x99: {  	[sflag:s9] =	ssyncset.done $0x0  }
0x9a: {  	s15 =	sshll.u32 s19, $0x6;
	[sflag:s9] =	ssyncadd.s32 $0xFFFFE000  }
0x9b: {  	v2 =	vld [tilespmem:s15+$0x0]  }
0x9c: {  	v3 =	vld [tilespmem:s15+$0x10]  }
0x9d: {  	v1 =	vld [tilespmem:s15+$0x20]  }
0x9e: {  	s16 =	simm.s32 $0x0;
	v0 =	vld [tilespmem:s15+$0x30]  }
0x9f: {  	v4 =	vld [tilespmem:s16+$0x9400]  }
0xa0: {  	v6 =	vld [tilespmem:s16+$0x9410]  }
0xa1: {  	s4 =	simm.s32 $0x100;
	v5 =	vld [tilespmem:s16+$0x9420]  }
.LBB2_9:
0xa2: {  	p0 =	sne.s32 s4, $0x7F00;
	v7 =	vld [tilespmem:s16+$0x9430];
	_ =	sdelay $0x1  }
0xa3: {  	v4 =	vadd.f32 v4, v2  }
.Ltmp3:
0xa4: {  	v6 =	vadd.f32 v6, v3;
	(pc) =	sbr.rel @p0 .LBB2_9-.Ltmp3, $4  }
0xa5: {  	s10 =	sshra.s32 s4, $0x2;
	[tilespmem:s16+$0x9400] =	vst v4;
	v5 =	vadd.f32 v5, v1  }
0xa6: {  	v4 =	vld [tilespmem:s10+$0x9400];
	[tilespmem:s16+$0x9410] =	vst v6;
	v7 =	vadd.f32 v7, v0  }
0xa7: {  	v6 =	vld [tilespmem:s10+$0x9410];
	[tilespmem:s16+$0x9420] =	vst v5  }
0xa8: {  	s4 =	sadd.s32 $0x100, s4;
	v5 =	vld [tilespmem:s10+$0x9420];
	[tilespmem:s16+$0x9430] =	vst v7;
	s16 =	smov.u32 s10  }
0xa9: {  	v7 =	vld [tilespmem:s16+$0x9430];
	_ =	sdelay $0x1  }
0xaa: {  	s7 =	sadd.s32 $0x1, s7;
	v2 =	vadd.f32 v4, v2  }
0xab: {  	p0 =	sne.s32 s7, $0x32;
	v3 =	vadd.f32 v6, v3  }
.Ltmp4:
0xac: {  	[tilespmem:s16+$0x9400] =	vst v2;
	v1 =	vadd.f32 v5, v1;
	(pc) =	sbr.rel @p0 .LBB2_2-.Ltmp4, $4  }
0xad: {  	s4 =	sor.u32 s13, s15;
	[tilespmem:s16+$0x9410] =	vst v3;
	v0 =	vadd.f32 v7, v0  }
0xae: {  	s4 =	sshrl.u32 s4, $0x3;
	[tilespmem:s16+$0x9420] =	vst v1  }
0xaf: {  	s4 =	sadd.s32 s2, s4;
	[tilespmem:s16+$0x9430] =	vst v0  }
0xb0: {  	[hbm4b:s4+s26] =	stream.strided.scatter [tilespmem:s1], [sflag:$0xC], $0x2000, s17, s26, $0x38;
	[tilespmem:$0xB400] =	vst v63  }
0xb1: {  	s4 =	simm.s32 $0x9  }
0xb2: {  	_ =	swait.ge [sflag:s4], $0x2000  }
0xb3: {  	[sflag:s4] =	ssyncset.done $0x0  }
0xb4: {  	s16 =	simm.s32 $0xA;
	[sflag:s4] =	ssyncadd.s32 $0xFFFFE000  }
0xb5: {  	_ =	swait.ge [sflag:s16], $0x2000  }
0xb6: {  	[sflag:s16] =	ssyncset.done $0x0  }
0xb7: {  	s18 =	simm.s32 $0xB;
	[sflag:s16] =	ssyncadd.s32 $0xFFFFE000  }
0xb8: {  	_ =	swait.ge [sflag:s18], $0x2000  }
0xb9: {  	[sflag:s18] =	ssyncset.done $0x0  }
0xba: {  	s7 =	simm.s32 $0xC;
	[sflag:s18] =	ssyncadd.s32 $0xFFFFE000  }
0xbb: {  	_ =	swait.ge [sflag:s7], $0x2000  }
0xbc: {  	s10 =	rddreg [dreg:$0x8]  }
0xbd: {  	s19 =	rddreg [dreg:$0x7];
	s10 =	sadd.s32 $0x1, s10  }
0xbe: {  	p0 =	sne.s32 s10, s19  }
.Ltmp5:
0xbf: {  	_ = 	snop;
	(pc) =	sbr.rel @p0 .LBB2_1-.Ltmp5, $3  }
0xc0: {  	_ =	sdelay $0x1  }
0xc1: {  	[sflag:s7] =	ssyncset.done $0x0  }
0xc2: {  	[sflag:s7] =	ssyncadd.s32 $0xFFFFE000  }
0xc3: {  	_ =	sfence.sel $0x180000  }
0xc4: {  	[bflag:$0x0] =	sbarrier.arrive $0xFFFF  }
0xc5: {  	_ =	strace $0x90000047  }
0xc6: {  	s0 =	stileid.u32;
	[bflag:$0x2] =	sbarrier.arrive $0xFFFF  }
0xc7: {  	p0 =	sne.s32 s0, $0x0;
	s0 =	rddreg [dreg:$0x2]  }
0xc8: {  	s0 =	sadd.s32 @!p0 $0x100000, s0  }
0xc9: {  	[sflag:s0] =	ssyncadd.tile.s32 @!p0 $0x1;
	_ =	shalt  }
.Lfunc_end2:
_tile_overlayer_lowered:
.L_overlay_start_2:
0xca: {  	(tag) =	ssettag $0x2  }
0xcb: {  	s0 =	rddreg [dreg:$0x0];
	s2 =	stileid.u32  }
0xcc: {  	s1 =	rddreg [dreg:$0x1];
	p0 =	sne.s32 s2, $0x0  }
0xcd: {  	s3 =	rddreg [dreg:$0x2];
	[bflag:$0x3] =	sbarrier.arrive $0xFFFF;
	s2 =	simm.s32 @!p0 $0x1C0D  }
0xce: {  	[timem:s3], [sflag:s2] =	dma.local @!p0 [hbm:s0], s1  }
0xcf: {  	s0 =	simm.s32 @!p0 $0xD  }
0xd0: {  	_ =	swait.ge @!p0 [sflag:s0], s1  }
0xd1: {  	s1 =	ssub.s32 @!p0 $0x0, s1;
	[sflag:s0] =	ssyncset.done @!p0 $0x0  }
0xd2: {  	[sflag:s0] =	ssyncadd.s32 @!p0 s1  }
0xd3: {  	[bflag:$0x3] =	sbarrier.arrive $0xFFFF  }
0xd4: {  	_ =	shalt  }

// kernel: sparse-core-data-format-call.cloned.1.call-start
scs
called_computation_lowered:
.L_overlay_start_0:
0x0: {  	s2 =	sld [smem:$0x3FD9]  }
0x1: {  	s3 =	sld [smem:$0x3FFE];
	_ =	sdelay $0x1  }
0x2: {  	s1 =	srdreg.scid  }
0x3: {  	s0 =	sand.u32 $0x1, s1  }
0x4: {  	s18 =	sshll.u32 s0, $0xA;
	s2 =	sadd.s32 s3, s2  }
0x5: {  	s2 =	sadd.s32 s2, s18  }
0x6: {  	[smem:$0x3FC6] =	sst s2  }
0x7: {  	_ = 	snop  }
0x8: {  	s2 =	sld [smem:$0x3FD0];
	(tm) =	ssettm $0x1  }
0x9: {  	s19 =	sld [smem:$0x3FFB];
	_ =	sdelay $0x3  }
0xa: {  	_ =	strace s19  }
0xb: {  	s3 =	sld [smem:$0x3FFC];
	_ =	sdelay $0x3  }
0xc: {  	_ =	strace s3  }
0xd: {  	s3 =	sld [smem:$0x3FFD];
	_ =	sdelay $0x3  }
0xe: {  	_ =	strace s3  }
0xf: {  	_ =	strace $0x8FFFFFFF  }
0x10: {  	s20 =	sld [smem:$0x3FDB];
	_ =	sdelay $0x1  }
0x11: {  	s4 =	simm.s32 $_scs_section_size  }
0x12: {  	s5 =	simm.s32 $_size__tile_overlayer_lowered;
	s6 =	simm.s32 $_tile_overlayer_lowered  }
0x13: {  	s23 =	simm.s32 $0x1BFF;
	s22 =	sshll.u32 s6, $0x1;
	s3 =	sadd.s32 s4, s20  }
0x14: {  	s7 =	simm.s32 $0x0;
	s21 =	sshll.u32 s5, $0x1;
	s5 =	sadd.s32 s22, s3  }
0x15: {  	[timem:s7], [sflag:s23] =	dma.local [hbm:s5], s21  }
0x16: {  	_ =	swait.ge [sflag:s23], s21  }
0x17: {  	s4 =	ssub.s32 $0x0, s21;
	[sflag:s23] =	ssyncset.done $0x0  }
0x18: {  	[sflag:s23] =	ssyncadd.s32 s4;
	_ =	sdelay $0x1  }
0x19: {  	s24 =	simm.s32 $0x1B8B  }
0x1a: {  	_ =	swait.ge [sflag:s24], $0x1  }
0x1b: {  	[sflag:s24] =	ssyncset.done $0x0  }
0x1c: {  	s26 =	simm.s32 $0x1B8E;
	s25 =	sld [smem:$0x3FFE];
	[sflag:s24] =	ssyncadd.s32 $0xFFFFFFFF  }
0x1d: {  	s27 =	simm.s32 $execute0_lowered;
	[smem:$0x3FD2] =	sst s26  }
0x1e: {  	s5 =	sshll.u32 s27, $0x1;
	_ =	strace $0x80000049;
	[dreg:$0x1] =	wrdreg $0xFFFFFFFF  }
0x1f: {  	s28 =	simm.s32 $_size_execute0_lowered;
	s3 =	sadd.s32 s3, s5;
	[dreg:$0x0] =	wrdreg $0x0  }
0x20: {  	s5 =	sshll.u32 s28, $0x1;
	[dreg:$0x2] =	wrdreg s3  }
0x21: {  	[dreg:$0x3] =	wrdreg s5  }
0x22: {  	[dreg:$0x4] =	wrdreg $0xC0  }
0x23: {  	_ =	task [dreg:s7], $0x5FFFF  }
0x24: {  	[dreg:$0x1] =	wrdreg $0xFFFFFFFF  }
0x25: {  	[dreg:$0x0] =	wrdreg $0x60  }
0x26: {  	[dreg:$0x2] =	wrdreg s25  }
0x27: {  	[dreg:$0x3] =	wrdreg s2  }
0x28: {  	[dreg:$0x4] =	wrdreg $0x9  }
0x29: {  	_ =	task.clear_ibuf [dreg:s7], $0x5FFFF;
	_ =	strace $0x90000049  }
0x2a: {  	s29 =	simm.s32 $0x9;
	_ =	strace $0x8000004B  }
0x2b: {  	_ =	swait.ge [sflag:s29], $0x1  }
0x2c: {  	[sflag:s29] =	ssyncadd.s32 $0xFFFFFFFF  }
0x2d: {  	_ =	strace $0x9000004B  }
0x2e: {  	_ =	sfence  }
0x2f: {  	s30 =	sld [smem:$0x0];
	_ =	sdelay $0x2  }
0x30: {  	s31 =	sshll.u32 s1, $0xD;
	s1 =	sshrl.u32 s1, $0x2  }
0x31: {  	s3 =	sand.u32 $0x4000, s31;
	s1 =	sadd.s32 s1, s30  }
0x32: {  	s0 =	sor.u32 s3, s0;
	s1 =	sshll.u32 s1, $0x11  }
0x33: {  	s0 =	sor.u32 s1, s0  }
0x34: {  	s0 =	sadd.s32 $0x8F2B, s0  }
0x35: {  	[sflag:s0] =	ssyncadd.remote.s32 $0x1  }
0x36: {  	_ =	sfence.sel $0xFFFF  }
0x37: {  	[dreg:$0x0] =	wrdreg $0xFFFFFFFF;
	(pc) =	sbr.abs _section_cstart, $3  }
0x38: {  	[dreg:$0x1] =	wrdreg $0xFFFFFFFF  }
0x39: {  	_ =	task.clear_ibuf [dreg:s7], $0x2FFFF;
	_ =	strace $0x9FFFFFFF  }
0x3a: {  	(tm) =	ssettm $0x7FFFFFFF  }
0x3b: {  	_ =	shalt  }
tec
execute0_lowered:
.L_overlay_start_1:
0x0: {  	(tag) =	ssettag $0x1  }
0x1: {  	s0 =	srdreg.scid  }
0x2: {  	s1 =	sshll.u32 s0, $0x4  }
0x3: {  	s0 =	stileid.u32;
	s1 =	sand.u32 $0x10, s1  }
0x4: {  	s1 =	sor.u32 s0, s1  }
0x5: {  	s6 =	rddreg [dreg:$0x0];
	s4 =	simm.s32 $0x1;
	s2 =	sshll.u32 s1, $0x7  }
0x6: {  	s7 =	simm.s32 $0x2;
	s12 =	simm.s32 $0x0;
	s1 =	ssub.s32 $0x1000, s2  }
0x7: {  	s8 =	simm.s32 $0x8000;
	s13 =	simm.s32 $0x0;
	s3 =	sand.u32 $0xF80, s1  }
0x8: {  	s9 =	simm.s32 $0x0;
	s5 =	sshrl.u32 s1, $0xC;
	p0 =	sne.s32 s3, $0x0  }
.Ltmp0:
0x9: {  	s1 =	rddreg [dreg:$0x2];
	s4 =	simm.s32 @!p0 $0x0;
	(pc) =	sbr.rel .LBB1_1-.Ltmp0, $4  }
0xa: {  	s11 =	simm.s32 $0x0;
	s3 =	rddreg [dreg:$0x1];
	s5 =	sadd.s32 s4, s5  }
0xb: {  	_ =	strace $0x8000004A;
	s4 =	simm.s32 $0x1;
	s5 =	smul.u32 $0xC8, s5  }
0xc: {  	s6 =	sadd.s32 $0xC00, s6;
	s10 =	smov.u32 s2;
	[sflag:s4] =	ssyncpa.u1 $0x0  }
0xd: {  	p0 =	por $0x0, $0x0;
	[sflag:s7] =	ssyncpa.u1 $0x0;
	s7 =	sor.u32 $0x1, s5  }
.LBB1_4:
0xe: {  	s16 =	sshll.u32 s13, $0x3;
	s17 =	sand.u32 $0x78, s13  }
0xf: {  	s30 =	sand.u32 $0x7E00, s13;
	s12 =	sshll.u32 s12, $0xF;
	s16 =	sand.u32 $0xC00, s16  }
0x10: {  	[tilespmem:s15+$0x810 ss:$0x81] =	vst.msk $0xffff, v2;
	s31 =	sand.u32 $0x7, s13;
	s16 =	sor.u32 s17, s16;
	s17 =	sadd.s32 s3, s30  }
0x11: {  	[tilespmem:s15+$0x1020 ss:$0x81] =	vst.msk $0xffff, v0;
	s13 =	sshll.u32 s31, $0x12;
	s12 =	sadd.s32 s12, s17;
	s16 =	sshrl.u32 s16, $0x3  }
0x12: {  	[tilespmem:s15+$0x0 ss:$0x81] =	vst.msk $0xffff, v1;
	s13 =	sor.u32 $0x400, s13;
	s12 =	sadd.s32 s16, s12  }
0x13: {  	[hbm4b:s12+s13] =	stream.strided.scatter [tilespmem:s14], [sflag:$0x2], $0x2000, s8, s13, $0x20;
	[tilespmem:$0x8080] =	vst v63  }
.LBB1_5:
0x14: {  	s14 =	sadd.s32 $0x1, s9  }
0x15: {  	s12 =	sadd.s32 $0x1000, s10;
	s16 =	smov.u32 s10;
	p2 =	sgt.s32 s14, $0xC7  }
0x16: {  	s16 =	smov.u32 @p2 s12  }
0x17: {  	s14 =	simm.s32 @p2 $0x0;
	p2 =	sgt.s32 s16, $0xFFF  }
0x18: {  	s16 =	smov.u32 @p2 s2;
	p2 =	sne.s32 s11, s7  }
.Ltmp1:
0x19: {  	p1 =	slt.u32 s11, $0x2;
	(pc) =	sbr.rel @!p2 .LBB1_6-.Ltmp1, $4  }
0x1a: {  	s15 =	simm.s32 @!p1 $0x2  }
0x1b: {  	s13 =	smov.u32 s10;
	p0 =	por !p0, !p0;
	_ =	swait.ge @!p1 [sflag:s15], $0x2000  }
0x1c: {  	s12 =	smov.u32 s9;
	[sflag:s15] =	ssyncset.done @!p1 $0x0;
	s9 =	smov.u32 s14  }
0x1d: {  	s11 =	sadd.s32 $0x1, s11;
	[sflag:s15] =	ssyncadd.s32 @!p1 $0xFFFFE000;
	s10 =	smov.u32 s16  }
.LBB1_1:
0x1e: {  	p1 =	sge.u32 s11, s5  }
0x1f: {  	s14 =	sand.u32 @!p1 $0x1FFFFFF, s9  }
0x20: {  	s15 =	smulhi.u32 @!p1 $0x147AE15, s14;
	_ =	sdelay $0x1  }
0x21: {  	s15 =	smul.u32 @!p1 $0xC8, s15  }
0x22: {  	s16 =	sxor.u32 @!p1 $0xFFFFFFFF, s11;
	s17 =	smul.u32 @!p1 $0xC80, s10  }
0x23: {  	s31 =	sadd.s32 $0xFFFFFFFF, s11;
	s16 =	sshll.u32 @!p1 s16, $0xD;
	s14 =	ssub.s32 @!p1 s14, s15  }
0x24: {  	s15 =	sand.u32 @!p1 $0x2000, s16;
	s16 =	sadd.s32 @!p1 s6, s17;
	s14 =	sshll.u32 @!p1 s14, $0x4  }
0x25: {  	s17 =	simm.s32 @!p1 $0x6400;
	s14 =	sadd.s32 @!p1 s14, s16;
	s16 =	simm.s32 @!p1 $0x40  }
0x26: {  	[tilespmem:s15], [sflag:$0x1] =	stream.strided.gather @!p1 [hbm4b:s14+s16], $0x2000, s17, s16, $0x38;
	[tilespmem:$0x8080] =	vst v63  }
0x27: {  	p1 =	sge.u32 s31, s5  }
.Ltmp2:
0x28: {  	_ = 	snop;
	(pc) =	sbr.rel @p1 .LBB1_5-.Ltmp2, $1  }
0x29: {  	_ =	sdelay $0x3  }
0x2a: {  	s14 =	simm.s32 $0x1  }
0x2b: {  	_ =	swait.ge [sflag:s4], $0x2000;
	s14 =	simm.s32 @!p0 $0x0  }
0x2c: {  	[sflag:s4] =	ssyncset.done $0x0;
	s15 =	sshll.u32 s14, $0xD  }
0x2d: {  	[sflag:s4] =	ssyncadd.s32 $0xFFFFE000;
	s18 =	sor.u32 $0x20, s15  }
0x2e: {  	s14 =	smul.u32 $0x8100, s14;
	v3 =	vld [tilespmem:s18+$0x10]  }
0x2f: {  	s30 =	sand.u32 $0x1, s11;
	v2 =	vld [tilespmem:s18+$0xFFFFFFF0]  }
0x30: {  	s15 =	smul.u32 $0x8100, s30;
	s14 =	sshrl.u32 s14, $0x2;
	v0 =	vld [tilespmem:s18+$0x0]  }
0x31: {  	v1 =	vld [tilespmem:s18+$0xFFFFFFE0];
	s16 =	sor.u32 $0x4000, s14  }
0x32: {  	s31 =	sshrl.u32 s15, $0x2;
	s15 =	sadd.s32 $0x0, s16  }
0x33: {  	s17 =	simm.s32 $0x4;
	s18 =	sadd.s32 $0x40, s18;
	s14 =	sor.u32 $0x4000, s31;
	[tilespmem:s15+$0x1830 ss:$0x81] =	vst.msk $0xffff, v3  }
.LBB1_3:
0x34: {  	v3 =	vld [tilespmem:s18+$0x10];
	p1 =	sne.s32 s17, $0x1FC;
	[tilespmem:s15+$0x810 ss:$0x81] =	vst.msk $0xffff, v2;
	s19 =	smov.u32 s17;
	s17 =	sadd.s32 $0x4, s17  }
.Ltmp3:
0x35: {  	v2 =	vld [tilespmem:s18+$0xFFFFFFF0];
	[tilespmem:s15+$0x1020 ss:$0x81] =	vst.msk $0xffff, v0;
	(pc) =	sbr.rel @p1 .LBB1_3-.Ltmp3, $4  }
0x36: {  	v0 =	vld [tilespmem:s18+$0x0];
	[tilespmem:s15+$0x0 ss:$0x81] =	vst.msk $0xffff, v1  }
0x37: {  	s15 =	sshra.s32 s19, $0x2;
	v1 =	vld [tilespmem:s18+$0xFFFFFFE0]  }
0x38: {  	s15 =	sadd.s32 s15, s16  }
0x39: {  	s18 =	sadd.s32 $0x40, s18;
	[tilespmem:s15+$0x1830 ss:$0x81] =	vst.msk $0xffff, v3  }
.Ltmp4:
0x3a: {  	_ = 	snop;
	(pc) =	sbr.rel .LBB1_4-.Ltmp4, $1  }
0x3b: {  	_ =	sdelay $0x3  }
.LBB1_6:
0x3c: {  	_ =	sfence.sel $0x180000  }
0x3d: {  	s2 =	simm.s32 $0x1;
	[bflag:$0x0] =	sbarrier.arrive $0xFFFF  }
0x3e: {  	s31 =	simm.s32 $0x2;
	[sflag:s2] =	ssyncpa.u1 $0x1  }
0x3f: {  	[sflag:s31] =	ssyncpa.u1 $0x1  }
0x40: {  	p0 =	sne.s32 s0, $0x0;
	_ =	strace $0x9000004A  }
0x41: {  	s0 =	sadd.s32 @!p0 $0x100000, s1;
	[bflag:$0x2] =	sbarrier.arrive $0xFFFF  }
0x42: {  	[sflag:s0] =	ssyncadd.tile.s32 @!p0 $0x1;
	_ =	shalt  }
.Lfunc_end1:
_tile_overlayer_lowered:
.L_overlay_start_2:
0x43: {  	(tag) =	ssettag $0x2  }
0x44: {  	s0 =	rddreg [dreg:$0x0];
	s2 =	stileid.u32  }
0x45: {  	s1 =	rddreg [dreg:$0x1];
	p0 =	sne.s32 s2, $0x0  }
0x46: {  	s3 =	rddreg [dreg:$0x2];
	[bflag:$0x3] =	sbarrier.arrive $0xFFFF;
	s2 =	simm.s32 @!p0 $0x1C01  }
0x47: {  	[timem:s3], [sflag:s2] =	dma.local @!p0 [hbm:s0], s1  }
0x48: {  	s0 =	simm.s32 @!p0 $0x1  }
0x49: {  	_ =	swait.ge @!p0 [sflag:s0], s1  }
0x4a: {  	s1 =	ssub.s32 @!p0 $0x0, s1;
	[sflag:s0] =	ssyncset.done @!p0 $0x0  }
0x4b: {  	[sflag:s0] =	ssyncadd.s32 @!p0 s1  }
0x4c: {  	[bflag:$0x3] =	sbarrier.arrive $0xFFFF  }
0x4d: {  	_ =	shalt  }

</sc_bundles>
